<compile_context>
chip_gen: v7x
topology: tpu7x:2x2x1
jax: 0.10.2.dev20260603
libtpu: 0.0.44.dev20260713+nightly
codegen_flags: <defaults>
</compile_context>

<pallas_src>
import functools

import jax
import jax.numpy as jnp
from jax import lax
from jax.experimental import pallas as pl
from jax.experimental.pallas import tpu as pltpu
from jax.experimental.pallas import tpu_sc as plsc

H = 1024
E = 16
I = 512
N_GROUP = 4
GSIZE = E // N_GROUP
T = 2048
TOP_K = 2
NA = T * TOP_K
RT = 256
N_PAD = NA + E * RT
N_TILES = N_PAD // RT
CHUNK = 256

NC, NS = 2, 16
NW = NC * NS
PER_W = NA // NW
SC_CH = 64



def _pack_bf16(r):
    u = lax.bitcast_convert_type(r, jnp.uint32)
    half = r.shape[1] // 2
    rte = jnp.uint32(0x8000)
    lo = ((u[:, :half] + rte) >> 16) & jnp.uint32(0xFFFF)
    hi = (u[:, half:] + rte) & jnp.uint32(0xFFFF0000)
    return lax.bitcast_convert_type(lo | hi, jnp.float32)


def _route_kernel(x_ref, gatew_ref, pos_ref, w_ref, texp_ref, xp_ref):
    logits = lax.dot_general(x_ref[...], gatew_ref[...],
                             (((1,), (1,)), ((), ())),
                             preferred_element_type=jnp.float32)
    neg = jnp.float32(-1e30)
    lane = lax.broadcasted_iota(jnp.int32, (T, E), 1)
    grp = lane // GSIZE
    gmax = jnp.full_like(logits, neg)
    for g in range(N_GROUP):
        mg = jnp.max(jnp.where(grp == g, logits, neg), axis=-1, keepdims=True)
        gmax = jnp.where(grp == g, mg, gmax)
    vg1 = jnp.max(gmax, axis=-1, keepdims=True)
    l1 = jnp.min(jnp.where(gmax == vg1, lane, E), axis=-1, keepdims=True)
    g1 = l1 // GSIZE
    gmax2 = jnp.where(grp == g1, neg, gmax)
    vg2 = jnp.max(gmax2, axis=-1, keepdims=True)
    l2 = jnp.min(jnp.where(gmax2 == vg2, lane, E), axis=-1, keepdims=True)
    g2 = l2 // GSIZE
    ms = jnp.where((grp == g1) | (grp == g2), logits, neg)
    v1 = jnp.max(ms, axis=-1, keepdims=True)
    i1 = jnp.min(jnp.where(ms == v1, lane, E), axis=-1, keepdims=True)
    ms2 = jnp.where(lane == i1, neg, ms)
    v2 = jnp.max(ms2, axis=-1, keepdims=True)
    i2 = jnp.min(jnp.where(ms2 == v2, lane, E), axis=-1, keepdims=True)
    d = v1 - v2
    w_ref[...] = jnp.concatenate(
        [jax.nn.sigmoid(d), jax.nn.sigmoid(-d)], axis=1)

    amat = ((lane == i1) | (lane == i2)).astype(jnp.float32)
    ri = lax.broadcasted_iota(jnp.int32, (CHUNK, CHUNK), 0)
    ci = lax.broadcasted_iota(jnp.int32, (CHUNK, CHUNK), 1)
    ltri = (ci < ri).astype(jnp.float32)
    base = jnp.zeros((1, E), jnp.float32)
    pchunks = []
    for c in range(T // CHUNK):
        ac = amat[c * CHUNK:(c + 1) * CHUNK]
        pc = lax.dot_general(ltri, ac, (((1,), (0,)), ((), ())),
                             preferred_element_type=jnp.float32) + base
        base = base + jnp.sum(ac, axis=0, keepdims=True)
        pchunks.append(pc)
    prefix = jnp.concatenate(pchunks, axis=0)
    count = base
    padded = jnp.floor((count + (RT - 1)) * (1.0 / RT)) * RT
    ri16 = lax.broadcasted_iota(jnp.int32, (E, E), 0)
    ci16 = lax.broadcasted_iota(jnp.int32, (E, E), 1)
    mtri = (ci16 < ri16).astype(jnp.float32)
    pad_off = lax.dot_general(padded, mtri, (((1,), (1,)), ((), ())),
                              preferred_element_type=jnp.float32)
    pad_end = pad_off + padded

    pos_full = pad_off + prefix
    pos1 = jnp.sum(jnp.where(lane == i1, pos_full, 0.0), axis=-1,
                   keepdims=True)
    pos2 = jnp.sum(jnp.where(lane == i2, pos_full, 0.0), axis=-1,
                   keepdims=True)
    pos_ref[...] = jnp.concatenate([pos1, pos2], axis=1).astype(jnp.int32)

    tid = (lax.broadcasted_iota(jnp.int32, (N_TILES, E), 0)
           * RT).astype(jnp.float32)
    cmp = (tid >= pad_end).astype(jnp.float32)
    texp = jnp.sum(cmp, axis=1, keepdims=True)
    texp_ref[...] = jnp.minimum(texp, E - 1).astype(jnp.int32)

    xp_ref[...] = _pack_bf16(x_ref[...])


def _route(x, gate_w):
    return pl.pallas_call(
        _route_kernel,
        out_shape=[
            jax.ShapeDtypeStruct((T, TOP_K), jnp.int32),
            jax.ShapeDtypeStruct((T, TOP_K), jnp.float32),
            jax.ShapeDtypeStruct((N_TILES, 1), jnp.int32),
            jax.ShapeDtypeStruct((T, H // 2), jnp.float32),
        ],
    )(x, gate_w)



def _sc_scatter(x, pos_flat):
    mesh = plsc.VectorSubcoreMesh(core_axis_name="c", subcore_axis_name="s")
    width = x.shape[1]

    @functools.partial(
        pl.kernel, mesh=mesh,
        out_type=jax.ShapeDtypeStruct((N_PAD, width), jnp.float32),
        scratch_types=[
            pltpu.VMEM((SC_CH,), jnp.int32),
            pltpu.VMEM((SC_CH, width), jnp.float32),
            pltpu.SemaphoreType.DMA,
        ],
    )
    def k(x_hbm, idx_hbm, o_hbm, idx_v, rows_v, sem):
        wid = lax.axis_index("s") * NC + lax.axis_index("c")
        jbase = wid * PER_W

        @pl.loop(0, PER_W // SC_CH)
        def _(c):
            base = jbase + c * SC_CH
            tbase = lax.rem(base, T)
            pltpu.sync_copy(idx_hbm.at[pl.ds(base, SC_CH)], idx_v)
            pltpu.sync_copy(x_hbm.at[pl.ds(tbase, SC_CH)], rows_v)
            pltpu.async_copy(rows_v, o_hbm.at[idx_v], sem).wait()

    return k(x, pos_flat)


def _sc_gather(y, pos_flat):
    mesh = plsc.VectorSubcoreMesh(core_axis_name="c", subcore_axis_name="s")
    width = y.shape[1]

    @functools.partial(
        pl.kernel, mesh=mesh,
        out_type=jax.ShapeDtypeStruct((NA, width), jnp.float32),
        scratch_types=[
            pltpu.VMEM((SC_CH,), jnp.int32),
            pltpu.VMEM((SC_CH, width), jnp.float32),
            pltpu.SemaphoreType.DMA,
        ],
    )
    def k(y_hbm, idx_hbm, o_hbm, idx_v, rows_v, sem):
        wid = lax.axis_index("s") * NC + lax.axis_index("c")
        jbase = wid * PER_W

        @pl.loop(0, PER_W // SC_CH)
        def _(c):
            base = jbase + c * SC_CH
            pltpu.sync_copy(idx_hbm.at[pl.ds(base, SC_CH)], idx_v)
            pltpu.async_copy(y_hbm.at[idx_v], rows_v, sem).wait()
            pltpu.sync_copy(rows_v, o_hbm.at[pl.ds(base, SC_CH)])

    return k(y, pos_flat)



def _mlp(xb, g_ref, u_ref, d_ref):
    hg = lax.dot_general(xb, g_ref[0], (((1,), (1,)), ((), ())),
                         preferred_element_type=jnp.float32)
    hu = lax.dot_general(xb, u_ref[0], (((1,), (1,)), ((), ())),
                         preferred_element_type=jnp.float32)
    h = jax.nn.silu(hg) * hu
    return lax.dot_general(h, d_ref[0], (((1,), (1,)), ((), ())),
                           preferred_element_type=jnp.float32)


def _grouped_kernel(texp_ref, x_ref, wga_ref, wgb_ref, wua_ref, wub_ref,
                    wda_ref, wdb_ref, o_ref):
    del texp_ref
    xlo, xhi = _unpack(x_ref)
    x = jnp.concatenate([xlo, xhi], axis=1)

    def dot_t(a, b):
        return lax.dot_general(a, b, (((1,), (1,)), ((), ())),
                               preferred_element_type=jnp.float32)

    hg = jnp.concatenate([dot_t(x, wga_ref[0]), dot_t(x, wgb_ref[0])], axis=1)
    hu = jnp.concatenate([dot_t(x, wua_ref[0]), dot_t(x, wub_ref[0])], axis=1)
    h = jax.nn.silu(hg) * hu
    r = jnp.concatenate([dot_t(h, wda_ref[0]), dot_t(h, wdb_ref[0])], axis=1)
    u = lax.bitcast_convert_type(r, jnp.uint32)
    rte = jnp.uint32(0x8000)
    lo = ((u[:, :H // 2] + rte) >> 16) & jnp.uint32(0xFFFF)
    hi = (u[:, H // 2:] + rte) & jnp.uint32(0xFFFF0000)
    o_ref[...] = lax.bitcast_convert_type(lo | hi, jnp.float32)


def _grouped_mlp(texp, x_sorted, w_gate, w_up, w_down):
    half_i = pl.BlockSpec((1, I // 2, H),
                          lambda i, texp: (texp[i], 0, 0))
    half_i2 = pl.BlockSpec((1, I // 2, H),
                           lambda i, texp: (texp[i], 1, 0))
    half_h = pl.BlockSpec((1, H // 2, I),
                          lambda i, texp: (texp[i], 0, 0))
    half_h2 = pl.BlockSpec((1, H // 2, I),
                           lambda i, texp: (texp[i], 1, 0))
    grid_spec = pltpu.PrefetchScalarGridSpec(
        num_scalar_prefetch=1,
        grid=(N_TILES,),
        in_specs=[
            pl.BlockSpec((RT, H // 2), lambda i, texp: (i, 0)),
            half_i, half_i2, half_i, half_i2, half_h, half_h2,
        ],
        out_specs=pl.BlockSpec((RT, H // 2), lambda i, texp: (i, 0)),
    )
    return pl.pallas_call(
        _grouped_kernel,
        grid_spec=grid_spec,
        out_shape=jax.ShapeDtypeStruct((N_PAD, H // 2), jnp.float32),
        compiler_params=pltpu.CompilerParams(
            dimension_semantics=("parallel",)),
    )(texp, x_sorted, w_gate, w_gate, w_up, w_up, w_down, w_down)



SH_TB = 1024


def _shared_kernel(x_ref, wsg_ref, wsu_ref, wsd_ref, o_ref):
    e = pl.program_id(1)

    @pl.when(e == 0)
    def _():
        o_ref[...] = jnp.zeros_like(o_ref)

    o_ref[...] += _mlp(x_ref[...], wsg_ref, wsu_ref, wsd_ref)


S_TB = 1024


def _shared_mlp(x, wsg, wsu, wsd):
    rows = x.shape[0]
    return pl.pallas_call(
        _shared_kernel,
        grid=(rows // S_TB, 2),
        in_specs=[
            pl.BlockSpec((S_TB, H), lambda h, e: (h, 0)),
            pl.BlockSpec((1, I, H), lambda h, e: (e, 0, 0)),
            pl.BlockSpec((1, I, H), lambda h, e: (e, 0, 0)),
            pl.BlockSpec((1, H, I), lambda h, e: (e, 0, 0)),
        ],
        out_specs=pl.BlockSpec((S_TB, H), lambda h, e: (h, 0)),
        out_shape=jax.ShapeDtypeStruct((rows, H), jnp.float32),
        compiler_params=pltpu.CompilerParams(
            dimension_semantics=("parallel", "arbitrary")),
    )(x, wsg, wsu, wsd)



def _unpack(ref):
    p = lax.bitcast_convert_type(ref[...], jnp.uint32)
    lo = lax.bitcast_convert_type(p << 16, jnp.float32)
    hi = lax.bitcast_convert_type(p & jnp.uint32(0xFFFF0000), jnp.float32)
    return lo, hi


def _combine_kernel(y1_ref, y2_ref, w_ref, sh_ref, o_ref):
    w = w_ref[...]
    l1, h1 = _unpack(y1_ref)
    l2, h2 = _unpack(y2_ref)
    alo = w[:, 0:1] * l1 + w[:, 1:2] * l2
    ahi = w[:, 0:1] * h1 + w[:, 1:2] * h2
    o_ref[...] = jnp.concatenate([alo, ahi], axis=1) + sh_ref[...]


def _combine(y01, w, shared):
    return pl.pallas_call(
        _combine_kernel,
        grid=(T // SH_TB,),
        in_specs=[
            pl.BlockSpec((SH_TB, H // 2), lambda h: (h, 0)),
            pl.BlockSpec((SH_TB, H // 2), lambda h: (h + T // SH_TB, 0)),
            pl.BlockSpec((SH_TB, TOP_K), lambda h: (h, 0)),
            pl.BlockSpec((SH_TB, H), lambda h: (h, 0)),
        ],
        out_specs=pl.BlockSpec((SH_TB, H), lambda h: (h, 0)),
        out_shape=jax.ShapeDtypeStruct((T, H), jnp.float32),
        compiler_params=pltpu.CompilerParams(
            dimension_semantics=("parallel",)),
    )(y01, y01, w, shared)



def kernel(hidden_states, gate_w, w_gate, w_up, w_down,
           ws_gate, ws_up, ws_down):
    x = hidden_states
    pos, w01, texp, x_packed = _route(x, gate_w)
    pos_flat = pos.T.reshape(NA)
    x_sorted = _sc_scatter(x_packed, pos_flat)
    wsg = ws_gate.reshape(2, I, H)
    wsu = ws_up.reshape(2, I, H)
    wsd = jnp.stack([ws_down[:, :I], ws_down[:, I:]])
    shared = _shared_mlp(x, wsg, wsu, wsd)
    y = _grouped_mlp(texp.reshape(N_TILES), x_sorted, w_gate, w_up, w_down)
    y01 = _sc_gather(y, pos_flat)
    return _combine(y01, w01, shared)

# --- scband reference (transcript-rebuilt; emitter-appended) ---
"""Pipeline reference for scband-deepseek-v2-for-causal-lm-74964359184831 (READ-ONLY COPY).

The authoritative reference and input builder live on the scoring server;
editing this copy changes nothing except your own understanding.
"""

import jax, jax.numpy as jnp
import numpy as np

H = 1024       # hidden_size
E = 16         # n_routed_experts
TOP_K = 2      # num_experts_per_tok
I = 512        # moe_intermediate_size
N_SHARED = 2   # n_shared_experts
N_GROUP = 4    # n_group
TOPK_GROUP = 2 # topk_group
ROUTED_SCALE = 1.0
T = 2048       # num tokens (batch=1, seq_len=2048)


def setup_inputs(seed: int = 0) -> dict:
    key = jax.random.key(seed)
    ks = jax.random.split(key, 9)
    hidden_states = jax.random.normal(ks[0], (T, H), dtype=jnp.float32)
    gate_w = jax.random.normal(ks[1], (E, H), dtype=jnp.float32) * 0.02
    w_gate = jax.random.normal(ks[2], (E, I, H), dtype=jnp.float32) * 0.02
    w_up = jax.random.normal(ks[3], (E, I, H), dtype=jnp.float32) * 0.02
    w_down = jax.random.normal(ks[4], (E, H, I), dtype=jnp.float32) * 0.02
    Is = I * N_SHARED
    ws_gate = jax.random.normal(ks[5], (Is, H), dtype=jnp.float32) * 0.02
    ws_up = jax.random.normal(ks[6], (Is, H), dtype=jnp.float32) * 0.02
    ws_down = jax.random.normal(ks[7], (H, Is), dtype=jnp.float32) * 0.02
    return {
        "hidden_states": hidden_states,
        "gate_w": gate_w,
        "w_gate": w_gate,
        "w_up": w_up,
        "w_down": w_down,
        "ws_gate": ws_gate,
        "ws_up": ws_up,
        "ws_down": ws_down,
    }


def _grouped_topk(scores):
    # scores: [T, E] softmax scores; vLLM grouped_topk with softmax scoring
    t = scores.shape[0]
    group_scores = scores.reshape(t, N_GROUP, E // N_GROUP).max(axis=-1)  # [T, n_group]
    _, grp_idx = jax.lax.top_k(group_scores, TOPK_GROUP)  # [T, topk_group]
    group_mask = jnp.zeros((t, N_GROUP), dtype=scores.dtype).at[
        jnp.arange(t)[:, None], grp_idx
    ].set(1.0)
    score_mask = jnp.repeat(group_mask, E // N_GROUP, axis=1)  # [T, E]
    masked_scores = jnp.where(score_mask > 0, scores, 0.0)
    topk_w, topk_ids = jax.lax.top_k(masked_scores, TOP_K)  # [T, top_k]
    # renormalize (norm_topk_prob=True)
    topk_w = topk_w / (jnp.sum(topk_w, axis=-1, keepdims=True) + 1e-20)
    topk_w = topk_w * ROUTED_SCALE
    return topk_w, topk_ids


def reference(hidden_states, gate_w, w_gate, w_up, w_down, ws_gate, ws_up, ws_down):
    x = hidden_states  # [T, H]
    # router gate (ReplicatedLinear, bias=False)
    router_logits = x @ gate_w.T  # [T, E]
    scores = jax.nn.softmax(router_logits.astype(jnp.float32), axis=-1)
    topk_w, topk_ids = _grouped_topk(scores)
    # routed experts: SiLU-gated MLP per expert, weighted combine
    out = jnp.zeros_like(x)
    for e in range(E):
        w_e = jnp.sum(jnp.where(topk_ids == e, topk_w, 0.0), axis=-1)  # [T]
        h = jax.nn.silu(x @ w_gate[e].T) * (x @ w_up[e].T)  # [T, I]
        y = h @ w_down[e].T  # [T, H]
        out = out + w_e[:, None] * y
    # shared experts (always-on dense MLP, intermediate = I * n_shared)
    hs = jax.nn.silu(x @ ws_gate.T) * (x @ ws_up.T)
    shared_out = hs @ ws_down.T
    final = out + shared_out
    return final

if __name__ == "__main__":
    import jax
    _d = setup_inputs()
    print(jax.jit(kernel)(*tuple(_d.values())))

</pallas_src>

<mosaic_0001>
#map = affine_map<(d0, d1) -> (0, 0)>
#map1 = affine_map<(d0, d1) -> (0)>
module attributes {stable_mosaic.version = 14 : i64} {
  func.func @k(%arg0: i32, %arg1: i32, %arg2: memref<2048x512xf32, #tpu.memory_space<hbm>>, %arg3: memref<4096xi32, #tpu.memory_space<hbm>>, %arg4: memref<8192x512xf32, #tpu.memory_space<hbm>>, %arg5: memref<64xi32, #tpu.memory_space<vmem>>, %arg6: memref<64x512xf32, #tpu.memory_space<vmem>>, %arg7: memref<!tpu.dma_semaphore, #tpu.memory_space<semaphore_mem>>) attributes {dimension_semantics = [#tpu.dimension_semantics<core_parallel>, #tpu.dimension_semantics<subcore_parallel>], iteration_bounds = array<i64: 2, 16>, scalar_prefetch = 0 : i64, scratch_operands = 3 : i64, tpu.core_type = #tpu.core_type<sc_vector_subcore>, window_params = [{transform_indices = #map}, {transform_indices = #map1}, {transform_indices = #map}]} {
    %mul3A = arith.constant 2 : i32
    %mul3A_0 = arith.muli %arg1, %mul3A : i32
    %add3A = arith.addi %mul3A_0, %arg0 : i32
    %mul3A_1 = arith.constant 128 : i32
    %mul3A_2 = arith.muli %add3A, %mul3A_1 : i32
    %scan3A = arith.constant 0 : i32
    %scan3A_3 = arith.constant 2 : i32
    %scan3A_4 = arith.addi %scan3A, %scan3A_3 : i32
    %scan3A_5 = arith.constant 1 : i32
    scf.for %scan3A_7 = %scan3A to %scan3A_4 step %scan3A_5  : i32 {
      %mul3A_8 = arith.constant 1 : i32
      %mul3A_9 = arith.muli %scan3A_7, %mul3A_8 : i32
      %add3A_10 = arith.constant 0 : i32
      %add3A_11 = arith.addi %add3A_10, %mul3A_9 : i32
      %mul3A_12 = arith.constant 64 : i32
      %mul3A_13 = arith.muli %add3A_11, %mul3A_12 : i32
      %add3A_14 = arith.addi %mul3A_2, %mul3A_13 : i32
      %rem3A = arith.constant 2048 : i32
      %rem3A_15 = arith.remsi %add3A_14, %rem3A : i32
      "tpu.region"() ({
        %run_scoped3A = tpu.sem_alloc : memref<!tpu.dma_semaphore, #tpu.memory_space<semaphore_mem>>
        %dma_start3A_20 = tpu.memref_slice %arg3[%add3A_14] : memref<4096xi32, #tpu.memory_space<hbm>> -> memref<64xi32, #tpu.memory_space<hbm>>
        %dma_start3A_21 = tpu.memref_slice %arg3[%add3A_14] : memref<4096xi32, #tpu.memory_space<hbm>> -> memref<64xi32, #tpu.memory_space<hbm>>
        tpu.enqueue_dma source(%dma_start3A_21 : memref<64xi32, #tpu.memory_space<hbm>>) target(%arg5 : memref<64xi32, #tpu.memory_space<vmem>>) target_semaphore(%run_scoped3A : memref<!tpu.dma_semaphore, #tpu.memory_space<semaphore_mem>>)
        %dma_wait3A_22 = tpu.memref_slice %arg3[%add3A_14] : memref<4096xi32, #tpu.memory_space<hbm>> -> memref<64xi32, #tpu.memory_space<hbm>>
        %dma_wait3A_23 = tpu.memref_slice %arg3[%add3A_14] : memref<4096xi32, #tpu.memory_space<hbm>> -> memref<64xi32, #tpu.memory_space<hbm>>
        tpu.wait_dma2 semaphore(%run_scoped3A : memref<!tpu.dma_semaphore, #tpu.memory_space<semaphore_mem>>) src(%dma_wait3A_23 : memref<64xi32, #tpu.memory_space<hbm>>) dst(%arg5 : memref<64xi32, #tpu.memory_space<vmem>>)
        tpu.yield
      }) : () -> ()
      "tpu.region"() ({
        %run_scoped3A = tpu.sem_alloc : memref<!tpu.dma_semaphore, #tpu.memory_space<semaphore_mem>>
        %dma_start3A_20 = arith.constant 0 : i32
        %dma_start3A_21 = tpu.memref_slice %arg2[%rem3A_15, %dma_start3A_20] : memref<2048x512xf32, #tpu.memory_space<hbm>> -> memref<64x512xf32, #tpu.memory_space<hbm>>
        %dma_start3A_22 = arith.constant 0 : i32
        %dma_start3A_23 = tpu.memref_slice %arg2[%rem3A_15, %dma_start3A_22] : memref<2048x512xf32, #tpu.memory_space<hbm>> -> memref<64x512xf32, #tpu.memory_space<hbm>>
        tpu.enqueue_dma source(%dma_start3A_23 : memref<64x512xf32, #tpu.memory_space<hbm>>) target(%arg6 : memref<64x512xf32, #tpu.memory_space<vmem>>) target_semaphore(%run_scoped3A : memref<!tpu.dma_semaphore, #tpu.memory_space<semaphore_mem>>)
        %dma_wait3A_24 = arith.constant 0 : i32
        %dma_wait3A_25 = tpu.memref_slice %arg2[%rem3A_15, %dma_wait3A_24] : memref<2048x512xf32, #tpu.memory_space<hbm>> -> memref<64x512xf32, #tpu.memory_space<hbm>>
        %dma_wait3A_26 = arith.constant 0 : i32
        %dma_wait3A_27 = tpu.memref_slice %arg2[%rem3A_15, %dma_wait3A_26] : memref<2048x512xf32, #tpu.memory_space<hbm>> -> memref<64x512xf32, #tpu.memory_space<hbm>>
        tpu.wait_dma2 semaphore(%run_scoped3A : memref<!tpu.dma_semaphore, #tpu.memory_space<semaphore_mem>>) src(%dma_wait3A_27 : memref<64x512xf32, #tpu.memory_space<hbm>>) dst(%arg6 : memref<64x512xf32, #tpu.memory_space<vmem>>)
        tpu.yield
      }) : () -> ()
      %dma_start3A = arith.constant 0 : i32
      %dma_start3A_16 = arith.constant 0 : i32
      %dma_start3A_17 = tpu.memref_slice %arg4[%dma_start3A, %dma_start3A_16] : memref<8192x512xf32, #tpu.memory_space<hbm>> -> memref<8192x512xf32, #tpu.memory_space<hbm>>
      tpu.enqueue_indirect_dma source(%arg6 : memref<64x512xf32, #tpu.memory_space<vmem>>) target(%dma_start3A_17 : memref<8192x512xf32, #tpu.memory_space<hbm>>) offsets(%arg5 : memref<64xi32, #tpu.memory_space<vmem>>) semaphore(%arg7 : memref<!tpu.dma_semaphore, #tpu.memory_space<semaphore_mem>>)
      %dma_wait3A = arith.constant 0 : i32
      %dma_wait3A_18 = arith.constant 0 : i32
      %dma_wait3A_19 = tpu.memref_slice %arg4[%dma_wait3A, %dma_wait3A_18] : memref<8192x512xf32, #tpu.memory_space<hbm>> -> memref<8192x512xf32, #tpu.memory_space<hbm>>
      tpu.wait_indirect_dma semaphore(%arg7 : memref<!tpu.dma_semaphore, #tpu.memory_space<semaphore_mem>>) src(%arg6 : memref<64x512xf32, #tpu.memory_space<vmem>>) dst(%dma_wait3A_19 : memref<8192x512xf32, #tpu.memory_space<hbm>>)
    }
    %scan3A_6 = arith.constant 2 : i32
    return
  }
}

#map = affine_map<(d0, d1) -> (0, 0)>
#map1 = affine_map<(d0, d1) -> (0)>
module attributes {stable_mosaic.version = 14 : i64} {
  func.func @k(%arg0: i32, %arg1: i32, %arg2: memref<8192x512xf32, #tpu.memory_space<hbm>>, %arg3: memref<4096xi32, #tpu.memory_space<hbm>>, %arg4: memref<4096x512xf32, #tpu.memory_space<hbm>>, %arg5: memref<64xi32, #tpu.memory_space<vmem>>, %arg6: memref<64x512xf32, #tpu.memory_space<vmem>>, %arg7: memref<!tpu.dma_semaphore, #tpu.memory_space<semaphore_mem>>) attributes {dimension_semantics = [#tpu.dimension_semantics<core_parallel>, #tpu.dimension_semantics<subcore_parallel>], iteration_bounds = array<i64: 2, 16>, scalar_prefetch = 0 : i64, scratch_operands = 3 : i64, tpu.core_type = #tpu.core_type<sc_vector_subcore>, window_params = [{transform_indices = #map}, {transform_indices = #map1}, {transform_indices = #map}]} {
    %mul3A = arith.constant 2 : i32
    %mul3A_0 = arith.muli %arg1, %mul3A : i32
    %add3A = arith.addi %mul3A_0, %arg0 : i32
    %mul3A_1 = arith.constant 128 : i32
    %mul3A_2 = arith.muli %add3A, %mul3A_1 : i32
    %scan3A = arith.constant 0 : i32
    %scan3A_3 = arith.constant 2 : i32
    %scan3A_4 = arith.addi %scan3A, %scan3A_3 : i32
    %scan3A_5 = arith.constant 1 : i32
    scf.for %scan3A_7 = %scan3A to %scan3A_4 step %scan3A_5  : i32 {
      %mul3A_8 = arith.constant 1 : i32
      %mul3A_9 = arith.muli %scan3A_7, %mul3A_8 : i32
      %add3A_10 = arith.constant 0 : i32
      %add3A_11 = arith.addi %add3A_10, %mul3A_9 : i32
      %mul3A_12 = arith.constant 64 : i32
      %mul3A_13 = arith.muli %add3A_11, %mul3A_12 : i32
      %add3A_14 = arith.addi %mul3A_2, %mul3A_13 : i32
      "tpu.region"() ({
        %run_scoped3A = tpu.sem_alloc : memref<!tpu.dma_semaphore, #tpu.memory_space<semaphore_mem>>
        %dma_start3A_19 = tpu.memref_slice %arg3[%add3A_14] : memref<4096xi32, #tpu.memory_space<hbm>> -> memref<64xi32, #tpu.memory_space<hbm>>
        %dma_start3A_20 = tpu.memref_slice %arg3[%add3A_14] : memref<4096xi32, #tpu.memory_space<hbm>> -> memref<64xi32, #tpu.memory_space<hbm>>
        tpu.enqueue_dma source(%dma_start3A_20 : memref<64xi32, #tpu.memory_space<hbm>>) target(%arg5 : memref<64xi32, #tpu.memory_space<vmem>>) target_semaphore(%run_scoped3A : memref<!tpu.dma_semaphore, #tpu.memory_space<semaphore_mem>>)
        %dma_wait3A_21 = tpu.memref_slice %arg3[%add3A_14] : memref<4096xi32, #tpu.memory_space<hbm>> -> memref<64xi32, #tpu.memory_space<hbm>>
        %dma_wait3A_22 = tpu.memref_slice %arg3[%add3A_14] : memref<4096xi32, #tpu.memory_space<hbm>> -> memref<64xi32, #tpu.memory_space<hbm>>
        tpu.wait_dma2 semaphore(%run_scoped3A : memref<!tpu.dma_semaphore, #tpu.memory_space<semaphore_mem>>) src(%dma_wait3A_22 : memref<64xi32, #tpu.memory_space<hbm>>) dst(%arg5 : memref<64xi32, #tpu.memory_space<vmem>>)
        tpu.yield
      }) : () -> ()
      %dma_start3A = arith.constant 0 : i32
      %dma_start3A_15 = arith.constant 0 : i32
      %dma_start3A_16 = tpu.memref_slice %arg2[%dma_start3A, %dma_start3A_15] : memref<8192x512xf32, #tpu.memory_space<hbm>> -> memref<8192x512xf32, #tpu.memory_space<hbm>>
      tpu.enqueue_indirect_dma source(%dma_start3A_16 : memref<8192x512xf32, #tpu.memory_space<hbm>>) target(%arg6 : memref<64x512xf32, #tpu.memory_space<vmem>>) offsets(%arg5 : memref<64xi32, #tpu.memory_space<vmem>>) semaphore(%arg7 : memref<!tpu.dma_semaphore, #tpu.memory_space<semaphore_mem>>)
      %dma_wait3A = arith.constant 0 : i32
      %dma_wait3A_17 = arith.constant 0 : i32
      %dma_wait3A_18 = tpu.memref_slice %arg2[%dma_wait3A, %dma_wait3A_17] : memref<8192x512xf32, #tpu.memory_space<hbm>> -> memref<8192x512xf32, #tpu.memory_space<hbm>>
      tpu.wait_indirect_dma semaphore(%arg7 : memref<!tpu.dma_semaphore, #tpu.memory_space<semaphore_mem>>) src(%dma_wait3A_18 : memref<8192x512xf32, #tpu.memory_space<hbm>>) dst(%arg6 : memref<64x512xf32, #tpu.memory_space<vmem>>)
      "tpu.region"() ({
        %run_scoped3A = tpu.sem_alloc : memref<!tpu.dma_semaphore, #tpu.memory_space<semaphore_mem>>
        %dma_start3A_19 = arith.constant 0 : i32
        %dma_start3A_20 = tpu.memref_slice %arg4[%add3A_14, %dma_start3A_19] : memref<4096x512xf32, #tpu.memory_space<hbm>> -> memref<64x512xf32, #tpu.memory_space<hbm>>
        %dma_start3A_21 = arith.constant 0 : i32
        %dma_start3A_22 = tpu.memref_slice %arg4[%add3A_14, %dma_start3A_21] : memref<4096x512xf32, #tpu.memory_space<hbm>> -> memref<64x512xf32, #tpu.memory_space<hbm>>
        tpu.enqueue_dma source(%arg6 : memref<64x512xf32, #tpu.memory_space<vmem>>) target(%dma_start3A_22 : memref<64x512xf32, #tpu.memory_space<hbm>>) target_semaphore(%run_scoped3A : memref<!tpu.dma_semaphore, #tpu.memory_space<semaphore_mem>>)
        %dma_wait3A_23 = arith.constant 0 : i32
        %dma_wait3A_24 = tpu.memref_slice %arg4[%add3A_14, %dma_wait3A_23] : memref<4096x512xf32, #tpu.memory_space<hbm>> -> memref<64x512xf32, #tpu.memory_space<hbm>>
        %dma_wait3A_25 = arith.constant 0 : i32
        %dma_wait3A_26 = tpu.memref_slice %arg4[%add3A_14, %dma_wait3A_25] : memref<4096x512xf32, #tpu.memory_space<hbm>> -> memref<64x512xf32, #tpu.memory_space<hbm>>
        tpu.wait_dma2 semaphore(%run_scoped3A : memref<!tpu.dma_semaphore, #tpu.memory_space<semaphore_mem>>) src(%arg6 : memref<64x512xf32, #tpu.memory_space<vmem>>) dst(%dma_wait3A_26 : memref<64x512xf32, #tpu.memory_space<hbm>>)
        tpu.yield
      }) : () -> ()
    }
    %scan3A_6 = arith.constant 2 : i32
    return
  }
}

module attributes {stable_mosaic.version = 14 : i64} {
  func.func @_route_kernel(%arg0: memref<2048x1024xf32, #tpu.memory_space<vmem>>, %arg1: memref<16x1024xf32, #tpu.memory_space<vmem>>, %arg2: memref<2048x2xi32, #tpu.memory_space<vmem>>, %arg3: memref<2048x2xf32, #tpu.memory_space<vmem>>, %arg4: memref<32x1xi32, #tpu.memory_space<vmem>>, %arg5: memref<2048x512xf32, #tpu.memory_space<vmem>>) attributes {dimension_semantics = [], scalar_prefetch = 0 : i64, scratch_operands = 0 : i64, tpu.core_type = #tpu.core_type<tc>} {
    %get3A = arith.constant 0 : index
    %get3A_0 = arith.constant 0 : index
    %get3A_1 = vector.load %arg0[%get3A, %get3A_0] : memref<2048x1024xf32, #tpu.memory_space<vmem>>, vector<2048x1024xf32>
    %get3A_2 = arith.constant 0 : index
    %get3A_3 = arith.constant 0 : index
    %get3A_4 = vector.load %arg1[%get3A_2, %get3A_3] : memref<16x1024xf32, #tpu.memory_space<vmem>>, vector<16x1024xf32>
    %dot_general3A = arith.constant dense<0.000000e+00> : vector<2048x16xf32>
    %dot_general3A_5 = tpu.matmul %get3A_1, %get3A_4, %dot_general3A {dimension_numbers = #tpu.dot_dimension_numbers<[1], [1], [0], [0], [0, 0, 1, 0], [], []>, transpose_lhs_hint = false} : vector<2048x1024xf32>, vector<16x1024xf32>, vector<2048x16xf32> -> vector<2048x16xf32>
    %iota3A = tpu.iota {dimensions = array<i32: 1>} : vector<2048x16xi32>
    %jit3A = arith.constant 4 : i32
    %div3A = vector.broadcast %jit3A : i32 to vector<2048x16xi32>
    %div3A_6 = arith.divsi %iota3A, %div3A : vector<2048x16xi32>
    %sign3A = arith.constant 0 : i32
    %sign3A_7 = vector.broadcast %sign3A : i32 to vector<2048x16xi32>
    %sign3A_8 = arith.cmpi sgt, %iota3A, %sign3A_7 : vector<2048x16xi32>
    %sign3A_9 = arith.extui %sign3A_8 : vector<2048x16xi1> to vector<2048x16xi32>
    %sign3A_10 = arith.constant 0 : i32
    %sign3A_11 = vector.broadcast %sign3A_10 : i32 to vector<2048x16xi32>
    %sign3A_12 = arith.cmpi slt, %iota3A, %sign3A_11 : vector<2048x16xi32>
    %sign3A_13 = arith.extui %sign3A_12 : vector<2048x16xi1> to vector<2048x16xi32>
    %sign3A_14 = arith.subi %sign3A_9, %sign3A_13 : vector<2048x16xi32>
    %sign3A_15 = arith.constant 0 : i32
    %sign3A_16 = arith.cmpi sgt, %jit3A, %sign3A_15 : i32
    %sign3A_17 = arith.extui %sign3A_16 : i1 to i32
    %sign3A_18 = arith.constant 0 : i32
    %sign3A_19 = arith.cmpi slt, %jit3A, %sign3A_18 : i32
    %sign3A_20 = arith.extui %sign3A_19 : i1 to i32
    %sign3A_21 = arith.subi %sign3A_17, %sign3A_20 : i32
    %ne3A = vector.broadcast %sign3A_21 : i32 to vector<2048x16xi32>
    %ne3A_22 = arith.cmpi ne, %sign3A_14, %ne3A : vector<2048x16xi32>
    %rem3A = vector.broadcast %jit3A : i32 to vector<2048x16xi32>
    %rem3A_23 = arith.remsi %iota3A, %rem3A : vector<2048x16xi32>
    %ne3A_24 = arith.constant 0 : i32
    %ne3A_25 = vector.broadcast %ne3A_24 : i32 to vector<2048x16xi32>
    %ne3A_26 = arith.cmpi ne, %rem3A_23, %ne3A_25 : vector<2048x16xi32>
    %and3A = arith.andi %ne3A_22, %ne3A_26 : vector<2048x16xi1>
    %sub3A = arith.constant 1 : i32
    %sub3A_27 = vector.broadcast %sub3A : i32 to vector<2048x16xi32>
    %sub3A_28 = arith.subi %div3A_6, %sub3A_27 : vector<2048x16xi32>
    %select_n3A = arith.select %and3A, %sub3A_28, %div3A_6 : vector<2048x16xi1>, vector<2048x16xi32>
    %broadcast_in_dim3A = arith.constant -1.000000e+30 : f32
    %broadcast_in_dim3A_29 = vector.broadcast %broadcast_in_dim3A : f32 to vector<2048x16xf32>
    %eq3A = arith.constant 0 : i32
    %eq3A_30 = vector.broadcast %eq3A : i32 to vector<2048x16xi32>
    %eq3A_31 = arith.cmpi eq, %select_n3A, %eq3A_30 : vector<2048x16xi32>
    %jit3A_32 = arith.constant -1.000000e+30 : f32
    %broadcast_in_dim3A_33 = vector.broadcast %jit3A_32 : f32 to vector<2048x16xf32>
    %select_n3A_34 = arith.select %eq3A_31, %dot_general3A_5, %broadcast_in_dim3A_33 : vector<2048x16xi1>, vector<2048x16xf32>
    %reduce_max3A = arith.constant dense<0xFF800000> : vector<2048xf32>
    %reduce_max3A_35 = vector.multi_reduction <maximumf>, %select_n3A_34, %reduce_max3A [1] : vector<2048x16xf32> to vector<2048xf32>
    %broadcast_in_dim3A_36 = vector.shape_cast %reduce_max3A_35 : vector<2048xf32> to vector<2048x1xf32>
    %eq3A_37 = arith.constant 0 : i32
    %eq3A_38 = vector.broadcast %eq3A_37 : i32 to vector<2048x16xi32>
    %eq3A_39 = arith.cmpi eq, %select_n3A, %eq3A_38 : vector<2048x16xi32>
    %broadcast_in_dim3A_40 = vector.shape_cast %broadcast_in_dim3A_36 : vector<2048x1xf32> to vector<2048x1xf32>
    %broadcast_in_dim3A_41 = vector.broadcast %broadcast_in_dim3A_40 : vector<2048x1xf32> to vector<2048x16xf32>
    %select_n3A_42 = arith.select %eq3A_39, %broadcast_in_dim3A_41, %broadcast_in_dim3A_29 : vector<2048x16xi1>, vector<2048x16xf32>
    %eq3A_43 = arith.constant 1 : i32
    %eq3A_44 = vector.broadcast %eq3A_43 : i32 to vector<2048x16xi32>
    %eq3A_45 = arith.cmpi eq, %select_n3A, %eq3A_44 : vector<2048x16xi32>
    %jit3A_46 = arith.constant -1.000000e+30 : f32
    %broadcast_in_dim3A_47 = vector.broadcast %jit3A_46 : f32 to vector<2048x16xf32>
    %select_n3A_48 = arith.select %eq3A_45, %dot_general3A_5, %broadcast_in_dim3A_47 : vector<2048x16xi1>, vector<2048x16xf32>
    %reduce_max3A_49 = arith.constant dense<0xFF800000> : vector<2048xf32>
    %reduce_max3A_50 = vector.multi_reduction <maximumf>, %select_n3A_48, %reduce_max3A_49 [1] : vector<2048x16xf32> to vector<2048xf32>
    %broadcast_in_dim3A_51 = vector.shape_cast %reduce_max3A_50 : vector<2048xf32> to vector<2048x1xf32>
    %eq3A_52 = arith.constant 1 : i32
    %eq3A_53 = vector.broadcast %eq3A_52 : i32 to vector<2048x16xi32>
    %eq3A_54 = arith.cmpi eq, %select_n3A, %eq3A_53 : vector<2048x16xi32>
    %broadcast_in_dim3A_55 = vector.shape_cast %broadcast_in_dim3A_51 : vector<2048x1xf32> to vector<2048x1xf32>
    %broadcast_in_dim3A_56 = vector.broadcast %broadcast_in_dim3A_55 : vector<2048x1xf32> to vector<2048x16xf32>
    %select_n3A_57 = arith.select %eq3A_54, %broadcast_in_dim3A_56, %select_n3A_42 : vector<2048x16xi1>, vector<2048x16xf32>
    %eq3A_58 = arith.constant 2 : i32
    %eq3A_59 = vector.broadcast %eq3A_58 : i32 to vector<2048x16xi32>
    %eq3A_60 = arith.cmpi eq, %select_n3A, %eq3A_59 : vector<2048x16xi32>
    %jit3A_61 = arith.constant -1.000000e+30 : f32
    %broadcast_in_dim3A_62 = vector.broadcast %jit3A_61 : f32 to vector<2048x16xf32>
    %select_n3A_63 = arith.select %eq3A_60, %dot_general3A_5, %broadcast_in_dim3A_62 : vector<2048x16xi1>, vector<2048x16xf32>
    %reduce_max3A_64 = arith.constant dense<0xFF800000> : vector<2048xf32>
    %reduce_max3A_65 = vector.multi_reduction <maximumf>, %select_n3A_63, %reduce_max3A_64 [1] : vector<2048x16xf32> to vector<2048xf32>
    %broadcast_in_dim3A_66 = vector.shape_cast %reduce_max3A_65 : vector<2048xf32> to vector<2048x1xf32>
    %eq3A_67 = arith.constant 2 : i32
    %eq3A_68 = vector.broadcast %eq3A_67 : i32 to vector<2048x16xi32>
    %eq3A_69 = arith.cmpi eq, %select_n3A, %eq3A_68 : vector<2048x16xi32>
    %broadcast_in_dim3A_70 = vector.shape_cast %broadcast_in_dim3A_66 : vector<2048x1xf32> to vector<2048x1xf32>
    %broadcast_in_dim3A_71 = vector.broadcast %broadcast_in_dim3A_70 : vector<2048x1xf32> to vector<2048x16xf32>
    %select_n3A_72 = arith.select %eq3A_69, %broadcast_in_dim3A_71, %select_n3A_57 : vector<2048x16xi1>, vector<2048x16xf32>
    %eq3A_73 = arith.constant 3 : i32
    %eq3A_74 = vector.broadcast %eq3A_73 : i32 to vector<2048x16xi32>
    %eq3A_75 = arith.cmpi eq, %select_n3A, %eq3A_74 : vector<2048x16xi32>
    %jit3A_76 = arith.constant -1.000000e+30 : f32
    %broadcast_in_dim3A_77 = vector.broadcast %jit3A_76 : f32 to vector<2048x16xf32>
    %select_n3A_78 = arith.select %eq3A_75, %dot_general3A_5, %broadcast_in_dim3A_77 : vector<2048x16xi1>, vector<2048x16xf32>
    %reduce_max3A_79 = arith.constant dense<0xFF800000> : vector<2048xf32>
    %reduce_max3A_80 = vector.multi_reduction <maximumf>, %select_n3A_78, %reduce_max3A_79 [1] : vector<2048x16xf32> to vector<2048xf32>
    %broadcast_in_dim3A_81 = vector.shape_cast %reduce_max3A_80 : vector<2048xf32> to vector<2048x1xf32>
    %eq3A_82 = arith.constant 3 : i32
    %eq3A_83 = vector.broadcast %eq3A_82 : i32 to vector<2048x16xi32>
    %eq3A_84 = arith.cmpi eq, %select_n3A, %eq3A_83 : vector<2048x16xi32>
    %broadcast_in_dim3A_85 = vector.shape_cast %broadcast_in_dim3A_81 : vector<2048x1xf32> to vector<2048x1xf32>
    %broadcast_in_dim3A_86 = vector.broadcast %broadcast_in_dim3A_85 : vector<2048x1xf32> to vector<2048x16xf32>
    %select_n3A_87 = arith.select %eq3A_84, %broadcast_in_dim3A_86, %select_n3A_72 : vector<2048x16xi1>, vector<2048x16xf32>
    %reduce_max3A_88 = arith.constant dense<0xFF800000> : vector<2048xf32>
    %reduce_max3A_89 = vector.multi_reduction <maximumf>, %select_n3A_87, %reduce_max3A_88 [1] : vector<2048x16xf32> to vector<2048xf32>
    %broadcast_in_dim3A_90 = vector.shape_cast %reduce_max3A_89 : vector<2048xf32> to vector<2048x1xf32>
    %eq3A_91 = vector.broadcast %broadcast_in_dim3A_90 : vector<2048x1xf32> to vector<2048x16xf32>
    %eq3A_92 = arith.cmpf oeq, %select_n3A_87, %eq3A_91 : vector<2048x16xf32>
    %jit3A_93 = arith.constant 16 : i32
    %broadcast_in_dim3A_94 = vector.broadcast %jit3A_93 : i32 to vector<2048x16xi32>
    %select_n3A_95 = arith.select %eq3A_92, %iota3A, %broadcast_in_dim3A_94 : vector<2048x16xi1>, vector<2048x16xi32>
    %reduce_min3A = arith.constant dense<2147483647> : vector<2048xi32>
    %reduce_min3A_96 = vector.multi_reduction <minsi>, %select_n3A_95, %reduce_min3A [1] : vector<2048x16xi32> to vector<2048xi32>
    %broadcast_in_dim3A_97 = vector.shape_cast %reduce_min3A_96 : vector<2048xi32> to vector<2048x1xi32>
    %jit3A_98 = arith.constant 4 : i32
    %div3A_99 = vector.broadcast %jit3A_98 : i32 to vector<2048x1xi32>
    %div3A_100 = arith.divsi %broadcast_in_dim3A_97, %div3A_99 : vector<2048x1xi32>
    %sign3A_101 = arith.constant 0 : i32
    %sign3A_102 = vector.broadcast %sign3A_101 : i32 to vector<2048x1xi32>
    %sign3A_103 = arith.cmpi sgt, %broadcast_in_dim3A_97, %sign3A_102 : vector<2048x1xi32>
    %sign3A_104 = arith.extui %sign3A_103 : vector<2048x1xi1> to vector<2048x1xi32>
    %sign3A_105 = arith.constant 0 : i32
    %sign3A_106 = vector.broadcast %sign3A_105 : i32 to vector<2048x1xi32>
    %sign3A_107 = arith.cmpi slt, %broadcast_in_dim3A_97, %sign3A_106 : vector<2048x1xi32>
    %sign3A_108 = arith.extui %sign3A_107 : vector<2048x1xi1> to vector<2048x1xi32>
    %sign3A_109 = arith.subi %sign3A_104, %sign3A_108 : vector<2048x1xi32>
    %sign3A_110 = arith.constant 0 : i32
    %sign3A_111 = arith.cmpi sgt, %jit3A_98, %sign3A_110 : i32
    %sign3A_112 = arith.extui %sign3A_111 : i1 to i32
    %sign3A_113 = arith.constant 0 : i32
    %sign3A_114 = arith.cmpi slt, %jit3A_98, %sign3A_113 : i32
    %sign3A_115 = arith.extui %sign3A_114 : i1 to i32
    %sign3A_116 = arith.subi %sign3A_112, %sign3A_115 : i32
    %ne3A_117 = vector.broadcast %sign3A_116 : i32 to vector<2048x1xi32>
    %ne3A_118 = arith.cmpi ne, %sign3A_109, %ne3A_117 : vector<2048x1xi32>
    %rem3A_119 = vector.broadcast %jit3A_98 : i32 to vector<2048x1xi32>
    %rem3A_120 = arith.remsi %broadcast_in_dim3A_97, %rem3A_119 : vector<2048x1xi32>
    %ne3A_121 = arith.constant 0 : i32
    %ne3A_122 = vector.broadcast %ne3A_121 : i32 to vector<2048x1xi32>
    %ne3A_123 = arith.cmpi ne, %rem3A_120, %ne3A_122 : vector<2048x1xi32>
    %and3A_124 = arith.andi %ne3A_118, %ne3A_123 : vector<2048x1xi1>
    %sub3A_125 = arith.constant 1 : i32
    %sub3A_126 = vector.broadcast %sub3A_125 : i32 to vector<2048x1xi32>
    %sub3A_127 = arith.subi %div3A_100, %sub3A_126 : vector<2048x1xi32>
    %select_n3A_128 = arith.select %and3A_124, %sub3A_127, %div3A_100 : vector<2048x1xi1>, vector<2048x1xi32>
    %eq3A_129 = vector.broadcast %select_n3A_128 : vector<2048x1xi32> to vector<2048x16xi32>
    %eq3A_130 = arith.cmpi eq, %select_n3A, %eq3A_129 : vector<2048x16xi32>
    %jit3A_131 = arith.constant -1.000000e+30 : f32
    %broadcast_in_dim3A_132 = vector.broadcast %jit3A_131 : f32 to vector<2048x16xf32>
    %select_n3A_133 = arith.select %eq3A_130, %broadcast_in_dim3A_132, %select_n3A_87 : vector<2048x16xi1>, vector<2048x16xf32>
    %reduce_max3A_134 = arith.constant dense<0xFF800000> : vector<2048xf32>
    %reduce_max3A_135 = vector.multi_reduction <maximumf>, %select_n3A_133, %reduce_max3A_134 [1] : vector<2048x16xf32> to vector<2048xf32>
    %broadcast_in_dim3A_136 = vector.shape_cast %reduce_max3A_135 : vector<2048xf32> to vector<2048x1xf32>
    %eq3A_137 = vector.broadcast %broadcast_in_dim3A_136 : vector<2048x1xf32> to vector<2048x16xf32>
    %eq3A_138 = arith.cmpf oeq, %select_n3A_133, %eq3A_137 : vector<2048x16xf32>
    %jit3A_139 = arith.constant 16 : i32
    %broadcast_in_dim3A_140 = vector.broadcast %jit3A_139 : i32 to vector<2048x16xi32>
    %select_n3A_141 = arith.select %eq3A_138, %iota3A, %broadcast_in_dim3A_140 : vector<2048x16xi1>, vector<2048x16xi32>
    %reduce_min3A_142 = arith.constant dense<2147483647> : vector<2048xi32>
    %reduce_min3A_143 = vector.multi_reduction <minsi>, %select_n3A_141, %reduce_min3A_142 [1] : vector<2048x16xi32> to vector<2048xi32>
    %broadcast_in_dim3A_144 = vector.shape_cast %reduce_min3A_143 : vector<2048xi32> to vector<2048x1xi32>
    %jit3A_145 = arith.constant 4 : i32
    %div3A_146 = vector.broadcast %jit3A_145 : i32 to vector<2048x1xi32>
    %div3A_147 = arith.divsi %broadcast_in_dim3A_144, %div3A_146 : vector<2048x1xi32>
    %sign3A_148 = arith.constant 0 : i32
    %sign3A_149 = vector.broadcast %sign3A_148 : i32 to vector<2048x1xi32>
    %sign3A_150 = arith.cmpi sgt, %broadcast_in_dim3A_144, %sign3A_149 : vector<2048x1xi32>
    %sign3A_151 = arith.extui %sign3A_150 : vector<2048x1xi1> to vector<2048x1xi32>
    %sign3A_152 = arith.constant 0 : i32
    %sign3A_153 = vector.broadcast %sign3A_152 : i32 to vector<2048x1xi32>
    %sign3A_154 = arith.cmpi slt, %broadcast_in_dim3A_144, %sign3A_153 : vector<2048x1xi32>
    %sign3A_155 = arith.extui %sign3A_154 : vector<2048x1xi1> to vector<2048x1xi32>
    %sign3A_156 = arith.subi %sign3A_151, %sign3A_155 : vector<2048x1xi32>
    %sign3A_157 = arith.constant 0 : i32
    %sign3A_158 = arith.cmpi sgt, %jit3A_145, %sign3A_157 : i32
    %sign3A_159 = arith.extui %sign3A_158 : i1 to i32
    %sign3A_160 = arith.constant 0 : i32
    %sign3A_161 = arith.cmpi slt, %jit3A_145, %sign3A_160 : i32
    %sign3A_162 = arith.extui %sign3A_161 : i1 to i32
    %sign3A_163 = arith.subi %sign3A_159, %sign3A_162 : i32
    %ne3A_164 = vector.broadcast %sign3A_163 : i32 to vector<2048x1xi32>
    %ne3A_165 = arith.cmpi ne, %sign3A_156, %ne3A_164 : vector<2048x1xi32>
    %rem3A_166 = vector.broadcast %jit3A_145 : i32 to vector<2048x1xi32>
    %rem3A_167 = arith.remsi %broadcast_in_dim3A_144, %rem3A_166 : vector<2048x1xi32>
    %ne3A_168 = arith.constant 0 : i32
    %ne3A_169 = vector.broadcast %ne3A_168 : i32 to vector<2048x1xi32>
    %ne3A_170 = arith.cmpi ne, %rem3A_167, %ne3A_169 : vector<2048x1xi32>
    %and3A_171 = arith.andi %ne3A_165, %ne3A_170 : vector<2048x1xi1>
    %sub3A_172 = arith.constant 1 : i32
    %sub3A_173 = vector.broadcast %sub3A_172 : i32 to vector<2048x1xi32>
    %sub3A_174 = arith.subi %div3A_147, %sub3A_173 : vector<2048x1xi32>
    %select_n3A_175 = arith.select %and3A_171, %sub3A_174, %div3A_147 : vector<2048x1xi1>, vector<2048x1xi32>
    %eq3A_176 = vector.broadcast %select_n3A_128 : vector<2048x1xi32> to vector<2048x16xi32>
    %eq3A_177 = arith.cmpi eq, %select_n3A, %eq3A_176 : vector<2048x16xi32>
    %eq3A_178 = vector.broadcast %select_n3A_175 : vector<2048x1xi32> to vector<2048x16xi32>
    %eq3A_179 = arith.cmpi eq, %select_n3A, %eq3A_178 : vector<2048x16xi32>
    %or3A = arith.ori %eq3A_177, %eq3A_179 : vector<2048x16xi1>
    %jit3A_180 = arith.constant -1.000000e+30 : f32
    %broadcast_in_dim3A_181 = vector.broadcast %jit3A_180 : f32 to vector<2048x16xf32>
    %select_n3A_182 = arith.select %or3A, %dot_general3A_5, %broadcast_in_dim3A_181 : vector<2048x16xi1>, vector<2048x16xf32>
    %reduce_max3A_183 = arith.constant dense<0xFF800000> : vector<2048xf32>
    %reduce_max3A_184 = vector.multi_reduction <maximumf>, %select_n3A_182, %reduce_max3A_183 [1] : vector<2048x16xf32> to vector<2048xf32>
    %broadcast_in_dim3A_185 = vector.shape_cast %reduce_max3A_184 : vector<2048xf32> to vector<2048x1xf32>
    %eq3A_186 = vector.broadcast %broadcast_in_dim3A_185 : vector<2048x1xf32> to vector<2048x16xf32>
    %eq3A_187 = arith.cmpf oeq, %select_n3A_182, %eq3A_186 : vector<2048x16xf32>
    %jit3A_188 = arith.constant 16 : i32
    %broadcast_in_dim3A_189 = vector.broadcast %jit3A_188 : i32 to vector<2048x16xi32>
    %select_n3A_190 = arith.select %eq3A_187, %iota3A, %broadcast_in_dim3A_189 : vector<2048x16xi1>, vector<2048x16xi32>
    %reduce_min3A_191 = arith.constant dense<2147483647> : vector<2048xi32>
    %reduce_min3A_192 = vector.multi_reduction <minsi>, %select_n3A_190, %reduce_min3A_191 [1] : vector<2048x16xi32> to vector<2048xi32>
    %broadcast_in_dim3A_193 = vector.shape_cast %reduce_min3A_192 : vector<2048xi32> to vector<2048x1xi32>
    %eq3A_194 = vector.broadcast %broadcast_in_dim3A_193 : vector<2048x1xi32> to vector<2048x16xi32>
    %eq3A_195 = arith.cmpi eq, %iota3A, %eq3A_194 : vector<2048x16xi32>
    %jit3A_196 = arith.constant -1.000000e+30 : f32
    %broadcast_in_dim3A_197 = vector.broadcast %jit3A_196 : f32 to vector<2048x16xf32>
    %select_n3A_198 = arith.select %eq3A_195, %broadcast_in_dim3A_197, %select_n3A_182 : vector<2048x16xi1>, vector<2048x16xf32>
    %reduce_max3A_199 = arith.constant dense<0xFF800000> : vector<2048xf32>
    %reduce_max3A_200 = vector.multi_reduction <maximumf>, %select_n3A_198, %reduce_max3A_199 [1] : vector<2048x16xf32> to vector<2048xf32>
    %broadcast_in_dim3A_201 = vector.shape_cast %reduce_max3A_200 : vector<2048xf32> to vector<2048x1xf32>
    %eq3A_202 = vector.broadcast %broadcast_in_dim3A_201 : vector<2048x1xf32> to vector<2048x16xf32>
    %eq3A_203 = arith.cmpf oeq, %select_n3A_198, %eq3A_202 : vector<2048x16xf32>
    %jit3A_204 = arith.constant 16 : i32
    %broadcast_in_dim3A_205 = vector.broadcast %jit3A_204 : i32 to vector<2048x16xi32>
    %select_n3A_206 = arith.select %eq3A_203, %iota3A, %broadcast_in_dim3A_205 : vector<2048x16xi1>, vector<2048x16xi32>
    %reduce_min3A_207 = arith.constant dense<2147483647> : vector<2048xi32>
    %reduce_min3A_208 = vector.multi_reduction <minsi>, %select_n3A_206, %reduce_min3A_207 [1] : vector<2048x16xi32> to vector<2048xi32>
    %broadcast_in_dim3A_209 = vector.shape_cast %reduce_min3A_208 : vector<2048xi32> to vector<2048x1xi32>
    %sub3A_210 = arith.subf %broadcast_in_dim3A_185, %broadcast_in_dim3A_201 : vector<2048x1xf32>
    %logistic3A = arith.negf %sub3A_210 : vector<2048x1xf32>
    %logistic3A_211 = math.exp %logistic3A : vector<2048x1xf32>
    %logistic3A_212 = arith.constant 1.000000e+00 : f32
    %logistic3A_213 = vector.broadcast %logistic3A_212 : f32 to vector<2048x1xf32>
    %logistic3A_214 = arith.addf %logistic3A_213, %logistic3A_211 : vector<2048x1xf32>
    %logistic3A_215 = arith.divf %logistic3A_213, %logistic3A_214 : vector<2048x1xf32>
    %neg3A = arith.constant 0.000000e+00 : f32
    %neg3A_216 = vector.broadcast %neg3A : f32 to vector<2048x1xf32>
    %neg3A_217 = arith.subf %neg3A_216, %sub3A_210 : vector<2048x1xf32>
    %logistic3A_218 = arith.negf %neg3A_217 : vector<2048x1xf32>
    %logistic3A_219 = math.exp %logistic3A_218 : vector<2048x1xf32>
    %logistic3A_220 = arith.constant 1.000000e+00 : f32
    %logistic3A_221 = vector.broadcast %logistic3A_220 : f32 to vector<2048x1xf32>
    %logistic3A_222 = arith.addf %logistic3A_221, %logistic3A_219 : vector<2048x1xf32>
    %logistic3A_223 = arith.divf %logistic3A_221, %logistic3A_222 : vector<2048x1xf32>
    %concatenate3A = tpu.concatenate %logistic3A_215, %logistic3A_223 in 1 : vector<2048x1xf32>, vector<2048x1xf32> -> vector<2048x2xf32>
    %swap3A = arith.constant 0 : index
    %swap3A_224 = arith.constant 0 : index
    %swap3A_225 = vector.load %arg3[%swap3A, %swap3A_224] : memref<2048x2xf32, #tpu.memory_space<vmem>>, vector<2048x2xf32>
    tpu.vector_store %arg3[%swap3A, %swap3A_224], %concatenate3A {strides = array<i32>} : memref<2048x2xf32, #tpu.memory_space<vmem>>, vector<2048x2xf32>,
    %eq3A_226 = vector.broadcast %broadcast_in_dim3A_193 : vector<2048x1xi32> to vector<2048x16xi32>
    %eq3A_227 = arith.cmpi eq, %iota3A, %eq3A_226 : vector<2048x16xi32>
    %eq3A_228 = vector.broadcast %broadcast_in_dim3A_209 : vector<2048x1xi32> to vector<2048x16xi32>
    %eq3A_229 = arith.cmpi eq, %iota3A, %eq3A_228 : vector<2048x16xi32>
    %or3A_230 = arith.ori %eq3A_227, %eq3A_229 : vector<2048x16xi1>
    %convert_element_type3A = arith.extui %or3A_230 : vector<2048x16xi1> to vector<2048x16xi32>
    %convert_element_type3A_231 = arith.sitofp %convert_element_type3A : vector<2048x16xi32> to vector<2048x16xf32>
    %iota3A_232 = tpu.iota {dimensions = array<i32: 0>} : vector<256x256xi32>
    %iota3A_233 = tpu.iota {dimensions = array<i32: 1>} : vector<256x256xi32>
    %lt3A = arith.cmpi slt, %iota3A_233, %iota3A_232 : vector<256x256xi32>
    %convert_element_type3A_234 = arith.extui %lt3A : vector<256x256xi1> to vector<256x256xi32>
    %convert_element_type3A_235 = arith.sitofp %convert_element_type3A_234 : vector<256x256xi32> to vector<256x256xf32>
    %broadcast_in_dim3A_236 = arith.constant 0.000000e+00 : f32
    %broadcast_in_dim3A_237 = vector.broadcast %broadcast_in_dim3A_236 : f32 to vector<1x16xf32>
    %slice3A = vector.extract_strided_slice %convert_element_type3A_231 {offsets = [0, 0], sizes = [256, 16], strides = [1, 1]} : vector<2048x16xf32> to vector<256x16xf32>
    %dot_general3A_238 = arith.constant dense<0.000000e+00> : vector<256x16xf32>
    %dot_general3A_239 = tpu.matmul %convert_element_type3A_235, %slice3A, %dot_general3A_238 {dimension_numbers = #tpu.dot_dimension_numbers<[1], [0], [0], [1], [0, 0, 1, 1], [], []>, transpose_lhs_hint = false} : vector<256x256xf32>, vector<256x16xf32>, vector<256x16xf32> -> vector<256x16xf32>
    %add3A = vector.broadcast %broadcast_in_dim3A_237 : vector<1x16xf32> to vector<256x16xf32>
    %add3A_240 = arith.addf %dot_general3A_239, %add3A : vector<256x16xf32>
    %reduce_sum3A = arith.constant dense<0.000000e+00> : vector<16xf32>
    %reduce_sum3A_241 = vector.multi_reduction <add>, %slice3A, %reduce_sum3A [0] : vector<256x16xf32> to vector<16xf32>
    %broadcast_in_dim3A_242 = vector.shape_cast %reduce_sum3A_241 : vector<16xf32> to vector<1x16xf32>
    %add3A_243 = arith.addf %broadcast_in_dim3A_237, %broadcast_in_dim3A_242 : vector<1x16xf32>
    %slice3A_244 = vector.extract_strided_slice %convert_element_type3A_231 {offsets = [256, 0], sizes = [256, 16], strides = [1, 1]} : vector<2048x16xf32> to vector<256x16xf32>
    %dot_general3A_245 = arith.constant dense<0.000000e+00> : vector<256x16xf32>
    %dot_general3A_246 = tpu.matmul %convert_element_type3A_235, %slice3A_244, %dot_general3A_245 {dimension_numbers = #tpu.dot_dimension_numbers<[1], [0], [0], [1], [0, 0, 1, 1], [], []>, transpose_lhs_hint = false} : vector<256x256xf32>, vector<256x16xf32>, vector<256x16xf32> -> vector<256x16xf32>
    %add3A_247 = vector.broadcast %add3A_243 : vector<1x16xf32> to vector<256x16xf32>
    %add3A_248 = arith.addf %dot_general3A_246, %add3A_247 : vector<256x16xf32>
    %reduce_sum3A_249 = arith.constant dense<0.000000e+00> : vector<16xf32>
    %reduce_sum3A_250 = vector.multi_reduction <add>, %slice3A_244, %reduce_sum3A_249 [0] : vector<256x16xf32> to vector<16xf32>
    %broadcast_in_dim3A_251 = vector.shape_cast %reduce_sum3A_250 : vector<16xf32> to vector<1x16xf32>
    %add3A_252 = arith.addf %add3A_243, %broadcast_in_dim3A_251 : vector<1x16xf32>
    %slice3A_253 = vector.extract_strided_slice %convert_element_type3A_231 {offsets = [512, 0], sizes = [256, 16], strides = [1, 1]} : vector<2048x16xf32> to vector<256x16xf32>
    %dot_general3A_254 = arith.constant dense<0.000000e+00> : vector<256x16xf32>
    %dot_general3A_255 = tpu.matmul %convert_element_type3A_235, %slice3A_253, %dot_general3A_254 {dimension_numbers = #tpu.dot_dimension_numbers<[1], [0], [0], [1], [0, 0, 1, 1], [], []>, transpose_lhs_hint = false} : vector<256x256xf32>, vector<256x16xf32>, vector<256x16xf32> -> vector<256x16xf32>
    %add3A_256 = vector.broadcast %add3A_252 : vector<1x16xf32> to vector<256x16xf32>
    %add3A_257 = arith.addf %dot_general3A_255, %add3A_256 : vector<256x16xf32>
    %reduce_sum3A_258 = arith.constant dense<0.000000e+00> : vector<16xf32>
    %reduce_sum3A_259 = vector.multi_reduction <add>, %slice3A_253, %reduce_sum3A_258 [0] : vector<256x16xf32> to vector<16xf32>
    %broadcast_in_dim3A_260 = vector.shape_cast %reduce_sum3A_259 : vector<16xf32> to vector<1x16xf32>
    %add3A_261 = arith.addf %add3A_252, %broadcast_in_dim3A_260 : vector<1x16xf32>
    %slice3A_262 = vector.extract_strided_slice %convert_element_type3A_231 {offsets = [768, 0], sizes = [256, 16], strides = [1, 1]} : vector<2048x16xf32> to vector<256x16xf32>
    %dot_general3A_263 = arith.constant dense<0.000000e+00> : vector<256x16xf32>
    %dot_general3A_264 = tpu.matmul %convert_element_type3A_235, %slice3A_262, %dot_general3A_263 {dimension_numbers = #tpu.dot_dimension_numbers<[1], [0], [0], [1], [0, 0, 1, 1], [], []>, transpose_lhs_hint = false} : vector<256x256xf32>, vector<256x16xf32>, vector<256x16xf32> -> vector<256x16xf32>
    %add3A_265 = vector.broadcast %add3A_261 : vector<1x16xf32> to vector<256x16xf32>
    %add3A_266 = arith.addf %dot_general3A_264, %add3A_265 : vector<256x16xf32>
    %reduce_sum3A_267 = arith.constant dense<0.000000e+00> : vector<16xf32>
    %reduce_sum3A_268 = vector.multi_reduction <add>, %slice3A_262, %reduce_sum3A_267 [0] : vector<256x16xf32> to vector<16xf32>
    %broadcast_in_dim3A_269 = vector.shape_cast %reduce_sum3A_268 : vector<16xf32> to vector<1x16xf32>
    %add3A_270 = arith.addf %add3A_261, %broadcast_in_dim3A_269 : vector<1x16xf32>
    %slice3A_271 = vector.extract_strided_slice %convert_element_type3A_231 {offsets = [1024, 0], sizes = [256, 16], strides = [1, 1]} : vector<2048x16xf32> to vector<256x16xf32>
    %dot_general3A_272 = arith.constant dense<0.000000e+00> : vector<256x16xf32>
    %dot_general3A_273 = tpu.matmul %convert_element_type3A_235, %slice3A_271, %dot_general3A_272 {dimension_numbers = #tpu.dot_dimension_numbers<[1], [0], [0], [1], [0, 0, 1, 1], [], []>, transpose_lhs_hint = false} : vector<256x256xf32>, vector<256x16xf32>, vector<256x16xf32> -> vector<256x16xf32>
    %add3A_274 = vector.broadcast %add3A_270 : vector<1x16xf32> to vector<256x16xf32>
    %add3A_275 = arith.addf %dot_general3A_273, %add3A_274 : vector<256x16xf32>
    %reduce_sum3A_276 = arith.constant dense<0.000000e+00> : vector<16xf32>
    %reduce_sum3A_277 = vector.multi_reduction <add>, %slice3A_271, %reduce_sum3A_276 [0] : vector<256x16xf32> to vector<16xf32>
    %broadcast_in_dim3A_278 = vector.shape_cast %reduce_sum3A_277 : vector<16xf32> to vector<1x16xf32>
    %add3A_279 = arith.addf %add3A_270, %broadcast_in_dim3A_278 : vector<1x16xf32>
    %slice3A_280 = vector.extract_strided_slice %convert_element_type3A_231 {offsets = [1280, 0], sizes = [256, 16], strides = [1, 1]} : vector<2048x16xf32> to vector<256x16xf32>
    %dot_general3A_281 = arith.constant dense<0.000000e+00> : vector<256x16xf32>
    %dot_general3A_282 = tpu.matmul %convert_element_type3A_235, %slice3A_280, %dot_general3A_281 {dimension_numbers = #tpu.dot_dimension_numbers<[1], [0], [0], [1], [0, 0, 1, 1], [], []>, transpose_lhs_hint = false} : vector<256x256xf32>, vector<256x16xf32>, vector<256x16xf32> -> vector<256x16xf32>
    %add3A_283 = vector.broadcast %add3A_279 : vector<1x16xf32> to vector<256x16xf32>
    %add3A_284 = arith.addf %dot_general3A_282, %add3A_283 : vector<256x16xf32>
    %reduce_sum3A_285 = arith.constant dense<0.000000e+00> : vector<16xf32>
    %reduce_sum3A_286 = vector.multi_reduction <add>, %slice3A_280, %reduce_sum3A_285 [0] : vector<256x16xf32> to vector<16xf32>
    %broadcast_in_dim3A_287 = vector.shape_cast %reduce_sum3A_286 : vector<16xf32> to vector<1x16xf32>
    %add3A_288 = arith.addf %add3A_279, %broadcast_in_dim3A_287 : vector<1x16xf32>
    %slice3A_289 = vector.extract_strided_slice %convert_element_type3A_231 {offsets = [1536, 0], sizes = [256, 16], strides = [1, 1]} : vector<2048x16xf32> to vector<256x16xf32>
    %dot_general3A_290 = arith.constant dense<0.000000e+00> : vector<256x16xf32>
    %dot_general3A_291 = tpu.matmul %convert_element_type3A_235, %slice3A_289, %dot_general3A_290 {dimension_numbers = #tpu.dot_dimension_numbers<[1], [0], [0], [1], [0, 0, 1, 1], [], []>, transpose_lhs_hint = false} : vector<256x256xf32>, vector<256x16xf32>, vector<256x16xf32> -> vector<256x16xf32>
    %add3A_292 = vector.broadcast %add3A_288 : vector<1x16xf32> to vector<256x16xf32>
    %add3A_293 = arith.addf %dot_general3A_291, %add3A_292 : vector<256x16xf32>
    %reduce_sum3A_294 = arith.constant dense<0.000000e+00> : vector<16xf32>
    %reduce_sum3A_295 = vector.multi_reduction <add>, %slice3A_289, %reduce_sum3A_294 [0] : vector<256x16xf32> to vector<16xf32>
    %broadcast_in_dim3A_296 = vector.shape_cast %reduce_sum3A_295 : vector<16xf32> to vector<1x16xf32>
    %add3A_297 = arith.addf %add3A_288, %broadcast_in_dim3A_296 : vector<1x16xf32>
    %slice3A_298 = vector.extract_strided_slice %convert_element_type3A_231 {offsets = [1792, 0], sizes = [256, 16], strides = [1, 1]} : vector<2048x16xf32> to vector<256x16xf32>
    %dot_general3A_299 = arith.constant dense<0.000000e+00> : vector<256x16xf32>
    %dot_general3A_300 = tpu.matmul %convert_element_type3A_235, %slice3A_298, %dot_general3A_299 {dimension_numbers = #tpu.dot_dimension_numbers<[1], [0], [0], [1], [0, 0, 1, 1], [], []>, transpose_lhs_hint = false} : vector<256x256xf32>, vector<256x16xf32>, vector<256x16xf32> -> vector<256x16xf32>
    %add3A_301 = vector.broadcast %add3A_297 : vector<1x16xf32> to vector<256x16xf32>
    %add3A_302 = arith.addf %dot_general3A_300, %add3A_301 : vector<256x16xf32>
    %reduce_sum3A_303 = arith.constant dense<0.000000e+00> : vector<16xf32>
    %reduce_sum3A_304 = vector.multi_reduction <add>, %slice3A_298, %reduce_sum3A_303 [0] : vector<256x16xf32> to vector<16xf32>
    %broadcast_in_dim3A_305 = vector.shape_cast %reduce_sum3A_304 : vector<16xf32> to vector<1x16xf32>
    %add3A_306 = arith.addf %add3A_297, %broadcast_in_dim3A_305 : vector<1x16xf32>
    %concatenate3A_307 = tpu.concatenate %add3A_240, %add3A_248, %add3A_257, %add3A_266, %add3A_275, %add3A_284, %add3A_293, %add3A_302 in 0 : vector<256x16xf32>, vector<256x16xf32>, vector<256x16xf32>, vector<256x16xf32>, vector<256x16xf32>, vector<256x16xf32>, vector<256x16xf32>, vector<256x16xf32> -> vector<2048x16xf32>
    %add3A_308 = arith.constant 2.550000e+02 : f32
    %add3A_309 = vector.broadcast %add3A_308 : f32 to vector<1x16xf32>
    %add3A_310 = arith.addf %add3A_306, %add3A_309 : vector<1x16xf32>
    %mul3A = arith.constant 3.906250e-03 : f32
    %mul3A_311 = vector.broadcast %mul3A : f32 to vector<1x16xf32>
    %mul3A_312 = arith.mulf %add3A_310, %mul3A_311 : vector<1x16xf32>
    %floor3A = math.floor %mul3A_312 : vector<1x16xf32>
    %mul3A_313 = arith.constant 2.560000e+02 : f32
    %mul3A_314 = vector.broadcast %mul3A_313 : f32 to vector<1x16xf32>
    %mul3A_315 = arith.mulf %floor3A, %mul3A_314 : vector<1x16xf32>
    %iota3A_316 = tpu.iota {dimensions = array<i32: 0>} : vector<16x16xi32>
    %iota3A_317 = tpu.iota {dimensions = array<i32: 1>} : vector<16x16xi32>
    %lt3A_318 = arith.cmpi slt, %iota3A_317, %iota3A_316 : vector<16x16xi32>
    %convert_element_type3A_319 = arith.extui %lt3A_318 : vector<16x16xi1> to vector<16x16xi32>
    %convert_element_type3A_320 = arith.sitofp %convert_element_type3A_319 : vector<16x16xi32> to vector<16x16xf32>
    %dot_general3A_321 = arith.constant dense<0.000000e+00> : vector<1x16xf32>
    %dot_general3A_322 = tpu.matmul %mul3A_315, %convert_element_type3A_320, %dot_general3A_321 {dimension_numbers = #tpu.dot_dimension_numbers<[1], [1], [0], [0], [0, 0, 1, 0], [], []>, transpose_lhs_hint = false} : vector<1x16xf32>, vector<16x16xf32>, vector<1x16xf32> -> vector<1x16xf32>
    %add3A_323 = arith.addf %dot_general3A_322, %mul3A_315 : vector<1x16xf32>
    %add3A_324 = vector.broadcast %dot_general3A_322 : vector<1x16xf32> to vector<2048x16xf32>
    %add3A_325 = arith.addf %add3A_324, %concatenate3A_307 : vector<2048x16xf32>
    %eq3A_326 = vector.broadcast %broadcast_in_dim3A_193 : vector<2048x1xi32> to vector<2048x16xi32>
    %eq3A_327 = arith.cmpi eq, %iota3A, %eq3A_326 : vector<2048x16xi32>
    %jit3A_328 = arith.constant 0.000000e+00 : f32
    %broadcast_in_dim3A_329 = vector.broadcast %jit3A_328 : f32 to vector<2048x16xf32>
    %select_n3A_330 = arith.select %eq3A_327, %add3A_325, %broadcast_in_dim3A_329 : vector<2048x16xi1>, vector<2048x16xf32>
    %reduce_sum3A_331 = arith.constant dense<0.000000e+00> : vector<2048xf32>
    %reduce_sum3A_332 = vector.multi_reduction <add>, %select_n3A_330, %reduce_sum3A_331 [1] : vector<2048x16xf32> to vector<2048xf32>
    %broadcast_in_dim3A_333 = vector.shape_cast %reduce_sum3A_332 : vector<2048xf32> to vector<2048x1xf32>
    %eq3A_334 = vector.broadcast %broadcast_in_dim3A_209 : vector<2048x1xi32> to vector<2048x16xi32>
    %eq3A_335 = arith.cmpi eq, %iota3A, %eq3A_334 : vector<2048x16xi32>
    %jit3A_336 = arith.constant 0.000000e+00 : f32
    %broadcast_in_dim3A_337 = vector.broadcast %jit3A_336 : f32 to vector<2048x16xf32>
    %select_n3A_338 = arith.select %eq3A_335, %add3A_325, %broadcast_in_dim3A_337 : vector<2048x16xi1>, vector<2048x16xf32>
    %reduce_sum3A_339 = arith.constant dense<0.000000e+00> : vector<2048xf32>
    %reduce_sum3A_340 = vector.multi_reduction <add>, %select_n3A_338, %reduce_sum3A_339 [1] : vector<2048x16xf32> to vector<2048xf32>
    %broadcast_in_dim3A_341 = vector.shape_cast %reduce_sum3A_340 : vector<2048xf32> to vector<2048x1xf32>
    %concatenate3A_342 = tpu.concatenate %broadcast_in_dim3A_333, %broadcast_in_dim3A_341 in 1 : vector<2048x1xf32>, vector<2048x1xf32> -> vector<2048x2xf32>
    %convert_element_type3A_343 = arith.fptosi %concatenate3A_342 : vector<2048x2xf32> to vector<2048x2xi32>
    %swap3A_344 = arith.constant 0 : index
    %swap3A_345 = arith.constant 0 : index
    %swap3A_346 = vector.load %arg2[%swap3A_344, %swap3A_345] : memref<2048x2xi32, #tpu.memory_space<vmem>>, vector<2048x2xi32>
    tpu.vector_store %arg2[%swap3A_344, %swap3A_345], %convert_element_type3A_343 {strides = array<i32>} : memref<2048x2xi32, #tpu.memory_space<vmem>>, vector<2048x2xi32>,
    %iota3A_347 = tpu.iota {dimensions = array<i32: 0>} : vector<32x16xi32>
    %mul3A_348 = arith.constant 256 : i32
    %mul3A_349 = vector.broadcast %mul3A_348 : i32 to vector<32x16xi32>
    %mul3A_350 = arith.muli %iota3A_347, %mul3A_349 : vector<32x16xi32>
    %convert_element_type3A_351 = arith.sitofp %mul3A_350 : vector<32x16xi32> to vector<32x16xf32>
    %ge3A = vector.broadcast %add3A_323 : vector<1x16xf32> to vector<32x16xf32>
    %ge3A_352 = arith.cmpf oge, %convert_element_type3A_351, %ge3A : vector<32x16xf32>
    %convert_element_type3A_353 = arith.extui %ge3A_352 : vector<32x16xi1> to vector<32x16xi32>
    %convert_element_type3A_354 = arith.sitofp %convert_element_type3A_353 : vector<32x16xi32> to vector<32x16xf32>
    %reduce_sum3A_355 = arith.constant dense<0.000000e+00> : vector<32xf32>
    %reduce_sum3A_356 = vector.multi_reduction <add>, %convert_element_type3A_354, %reduce_sum3A_355 [1] : vector<32x16xf32> to vector<32xf32>
    %broadcast_in_dim3A_357 = vector.shape_cast %reduce_sum3A_356 : vector<32xf32> to vector<32x1xf32>
    %min3A = arith.constant 1.500000e+01 : f32
    %min3A_358 = vector.broadcast %min3A : f32 to vector<32x1xf32>
    %min3A_359 = arith.minimumf %broadcast_in_dim3A_357, %min3A_358 : vector<32x1xf32>
    %convert_element_type3A_360 = arith.fptosi %min3A_359 : vector<32x1xf32> to vector<32x1xi32>
    %swap3A_361 = arith.constant 0 : index
    %swap3A_362 = arith.constant 0 : index
    %swap3A_363 = vector.load %arg4[%swap3A_361, %swap3A_362] : memref<32x1xi32, #tpu.memory_space<vmem>>, vector<32x1xi32>
    tpu.vector_store %arg4[%swap3A_361, %swap3A_362], %convert_element_type3A_360 {strides = array<i32>} : memref<32x1xi32, #tpu.memory_space<vmem>>, vector<32x1xi32>,
    %get3A_364 = arith.constant 0 : index
    %get3A_365 = arith.constant 0 : index
    %get3A_366 = vector.load %arg0[%get3A_364, %get3A_365] : memref<2048x1024xf32, #tpu.memory_space<vmem>>, vector<2048x1024xf32>
    %bitcast_convert_type3A = tpu.bitcast %get3A_366 : vector<2048x1024xf32> -> vector<2048x1024xi32>
    %slice3A_367 = vector.extract_strided_slice %bitcast_convert_type3A {offsets = [0, 0], sizes = [2048, 512], strides = [1, 1]} : vector<2048x1024xi32> to vector<2048x512xi32>
    %add3A_368 = arith.constant 32768 : i32
    %add3A_369 = vector.broadcast %add3A_368 : i32 to vector<2048x512xi32>
    %add3A_370 = arith.addi %slice3A_367, %add3A_369 : vector<2048x512xi32>
    %shift_right_logical3A = arith.constant 16 : i32
    %shift_right_logical3A_371 = vector.broadcast %shift_right_logical3A : i32 to vector<2048x512xi32>
    %shift_right_logical3A_372 = arith.shrui %add3A_370, %shift_right_logical3A_371 : vector<2048x512xi32>
    %and3A_373 = arith.constant 65535 : i32
    %and3A_374 = vector.broadcast %and3A_373 : i32 to vector<2048x512xi32>
    %and3A_375 = arith.andi %shift_right_logical3A_372, %and3A_374 : vector<2048x512xi32>
    %slice3A_376 = vector.extract_strided_slice %bitcast_convert_type3A {offsets = [0, 512], sizes = [2048, 512], strides = [1, 1]} : vector<2048x1024xi32> to vector<2048x512xi32>
    %add3A_377 = arith.constant 32768 : i32
    %add3A_378 = vector.broadcast %add3A_377 : i32 to vector<2048x512xi32>
    %add3A_379 = arith.addi %slice3A_376, %add3A_378 : vector<2048x512xi32>
    %and3A_380 = arith.constant -65536 : i32
    %and3A_381 = vector.broadcast %and3A_380 : i32 to vector<2048x512xi32>
    %and3A_382 = arith.andi %add3A_379, %and3A_381 : vector<2048x512xi32>
    %or3A_383 = arith.ori %and3A_375, %and3A_382 : vector<2048x512xi32>
    %bitcast_convert_type3A_384 = tpu.bitcast %or3A_383 : vector<2048x512xi32> -> vector<2048x512xf32>
    %swap3A_385 = arith.constant 0 : index
    %swap3A_386 = arith.constant 0 : index
    %swap3A_387 = vector.load %arg5[%swap3A_385, %swap3A_386] : memref<2048x512xf32, #tpu.memory_space<vmem>>, vector<2048x512xf32>
    tpu.vector_store %arg5[%swap3A_385, %swap3A_386], %bitcast_convert_type3A_384 {strides = array<i32>} : memref<2048x512xf32, #tpu.memory_space<vmem>>, vector<2048x512xf32>,
    return
  }
}

module attributes {stable_mosaic.version = 14 : i64} {
  func.func @_grouped_kernel(%arg0: i32, %arg1: memref<32xi32, #tpu.memory_space<smem>>, %arg2: memref<256x512xf32, #tpu.memory_space<vmem>>, %arg3: memref<1x256x1024xf32, #tpu.memory_space<vmem>>, %arg4: memref<1x256x1024xf32, #tpu.memory_space<vmem>>, %arg5: memref<1x256x1024xf32, #tpu.memory_space<vmem>>, %arg6: memref<1x256x1024xf32, #tpu.memory_space<vmem>>, %arg7: memref<1x512x512xf32, #tpu.memory_space<vmem>>, %arg8: memref<1x512x512xf32, #tpu.memory_space<vmem>>, %arg9: memref<256x512xf32, #tpu.memory_space<vmem>>) attributes {dimension_semantics = [#tpu.dimension_semantics<parallel>], iteration_bounds = array<i64: 32>, scalar_prefetch = 1 : i64, scratch_operands = 0 : i64, tpu.core_type = #tpu.core_type<tc>, window_params = [{transform_indices = @transform_0, window_bounds = array<i64: 256, 512>}, {transform_indices = @transform_1, window_bounds = array<i64: 1, 256, 1024>}, {transform_indices = @transform_2, window_bounds = array<i64: 1, 256, 1024>}, {transform_indices = @transform_3, window_bounds = array<i64: 1, 256, 1024>}, {transform_indices = @transform_4, window_bounds = array<i64: 1, 256, 1024>}, {transform_indices = @transform_5, window_bounds = array<i64: 1, 512, 512>}, {transform_indices = @transform_6, window_bounds = array<i64: 1, 512, 512>}, {transform_indices = @transform_7, window_bounds = array<i64: 256, 512>}]} {
    %get3A = arith.constant 0 : index
    %get3A_0 = arith.constant 0 : index
    %get3A_1 = vector.load %arg2[%get3A, %get3A_0] : memref<256x512xf32, #tpu.memory_space<vmem>>, vector<256x512xf32>
    %bitcast_convert_type3A = tpu.bitcast %get3A_1 : vector<256x512xf32> -> vector<256x512xi32>
    %shift_left3A = arith.constant 16 : i32
    %shift_left3A_2 = vector.broadcast %shift_left3A : i32 to vector<256x512xi32>
    %shift_left3A_3 = arith.shli %bitcast_convert_type3A, %shift_left3A_2 : vector<256x512xi32>
    %bitcast_convert_type3A_4 = tpu.bitcast %shift_left3A_3 : vector<256x512xi32> -> vector<256x512xf32>
    %and3A = arith.constant -65536 : i32
    %and3A_5 = vector.broadcast %and3A : i32 to vector<256x512xi32>
    %and3A_6 = arith.andi %bitcast_convert_type3A, %and3A_5 : vector<256x512xi32>
    %bitcast_convert_type3A_7 = tpu.bitcast %and3A_6 : vector<256x512xi32> -> vector<256x512xf32>
    %concatenate3A = tpu.concatenate %bitcast_convert_type3A_4, %bitcast_convert_type3A_7 in 1 : vector<256x512xf32>, vector<256x512xf32> -> vector<256x1024xf32>
    %get3A_8 = arith.constant 0 : index
    %get3A_9 = arith.constant 0 : index
    %get3A_10 = arith.constant 0 : index
    %get3A_11 = vector.load %arg3[%get3A_8, %get3A_9, %get3A_10] : memref<1x256x1024xf32, #tpu.memory_space<vmem>>, vector<1x256x1024xf32>
    %get3A_12 = vector.shape_cast %get3A_11 : vector<1x256x1024xf32> to vector<256x1024xf32>
    %dot_general3A = arith.constant dense<0.000000e+00> : vector<256x256xf32>
    %dot_general3A_13 = tpu.matmul %concatenate3A, %get3A_12, %dot_general3A {dimension_numbers = #tpu.dot_dimension_numbers<[1], [1], [0], [0], [0, 0, 1, 0], [], []>, transpose_lhs_hint = false} : vector<256x1024xf32>, vector<256x1024xf32>, vector<256x256xf32> -> vector<256x256xf32>
    %get3A_14 = arith.constant 0 : index
    %get3A_15 = arith.constant 0 : index
    %get3A_16 = arith.constant 0 : index
    %get3A_17 = vector.load %arg4[%get3A_14, %get3A_15, %get3A_16] : memref<1x256x1024xf32, #tpu.memory_space<vmem>>, vector<1x256x1024xf32>
    %get3A_18 = vector.shape_cast %get3A_17 : vector<1x256x1024xf32> to vector<256x1024xf32>
    %dot_general3A_19 = arith.constant dense<0.000000e+00> : vector<256x256xf32>
    %dot_general3A_20 = tpu.matmul %concatenate3A, %get3A_18, %dot_general3A_19 {dimension_numbers = #tpu.dot_dimension_numbers<[1], [1], [0], [0], [0, 0, 1, 0], [], []>, transpose_lhs_hint = false} : vector<256x1024xf32>, vector<256x1024xf32>, vector<256x256xf32> -> vector<256x256xf32>
    %concatenate3A_21 = tpu.concatenate %dot_general3A_13, %dot_general3A_20 in 1 : vector<256x256xf32>, vector<256x256xf32> -> vector<256x512xf32>
    %get3A_22 = arith.constant 0 : index
    %get3A_23 = arith.constant 0 : index
    %get3A_24 = arith.constant 0 : index
    %get3A_25 = vector.load %arg5[%get3A_22, %get3A_23, %get3A_24] : memref<1x256x1024xf32, #tpu.memory_space<vmem>>, vector<1x256x1024xf32>
    %get3A_26 = vector.shape_cast %get3A_25 : vector<1x256x1024xf32> to vector<256x1024xf32>
    %dot_general3A_27 = arith.constant dense<0.000000e+00> : vector<256x256xf32>
    %dot_general3A_28 = tpu.matmul %concatenate3A, %get3A_26, %dot_general3A_27 {dimension_numbers = #tpu.dot_dimension_numbers<[1], [1], [0], [0], [0, 0, 1, 0], [], []>, transpose_lhs_hint = false} : vector<256x1024xf32>, vector<256x1024xf32>, vector<256x256xf32> -> vector<256x256xf32>
    %get3A_29 = arith.constant 0 : index
    %get3A_30 = arith.constant 0 : index
    %get3A_31 = arith.constant 0 : index
    %get3A_32 = vector.load %arg6[%get3A_29, %get3A_30, %get3A_31] : memref<1x256x1024xf32, #tpu.memory_space<vmem>>, vector<1x256x1024xf32>
    %get3A_33 = vector.shape_cast %get3A_32 : vector<1x256x1024xf32> to vector<256x1024xf32>
    %dot_general3A_34 = arith.constant dense<0.000000e+00> : vector<256x256xf32>
    %dot_general3A_35 = tpu.matmul %concatenate3A, %get3A_33, %dot_general3A_34 {dimension_numbers = #tpu.dot_dimension_numbers<[1], [1], [0], [0], [0, 0, 1, 0], [], []>, transpose_lhs_hint = false} : vector<256x1024xf32>, vector<256x1024xf32>, vector<256x256xf32> -> vector<256x256xf32>
    %concatenate3A_36 = tpu.concatenate %dot_general3A_28, %dot_general3A_35 in 1 : vector<256x256xf32>, vector<256x256xf32> -> vector<256x512xf32>
    %logistic3A = arith.negf %concatenate3A_21 : vector<256x512xf32>
    %logistic3A_37 = math.exp %logistic3A : vector<256x512xf32>
    %logistic3A_38 = arith.constant 1.000000e+00 : f32
    %logistic3A_39 = vector.broadcast %logistic3A_38 : f32 to vector<256x512xf32>
    %logistic3A_40 = arith.addf %logistic3A_39, %logistic3A_37 : vector<256x512xf32>
    %logistic3A_41 = arith.divf %logistic3A_39, %logistic3A_40 : vector<256x512xf32>
    %mul3A = arith.mulf %concatenate3A_21, %logistic3A_41 : vector<256x512xf32>
    %mul3A_42 = arith.mulf %mul3A, %concatenate3A_36 : vector<256x512xf32>
    %get3A_43 = arith.constant 0 : index
    %get3A_44 = arith.constant 0 : index
    %get3A_45 = arith.constant 0 : index
    %get3A_46 = vector.load %arg7[%get3A_43, %get3A_44, %get3A_45] : memref<1x512x512xf32, #tpu.memory_space<vmem>>, vector<1x512x512xf32>
    %get3A_47 = vector.shape_cast %get3A_46 : vector<1x512x512xf32> to vector<512x512xf32>
    %dot_general3A_48 = arith.constant dense<0.000000e+00> : vector<256x512xf32>
    %dot_general3A_49 = tpu.matmul %mul3A_42, %get3A_47, %dot_general3A_48 {dimension_numbers = #tpu.dot_dimension_numbers<[1], [1], [0], [0], [0, 0, 1, 0], [], []>, transpose_lhs_hint = false} : vector<256x512xf32>, vector<512x512xf32>, vector<256x512xf32> -> vector<256x512xf32>
    %get3A_50 = arith.constant 0 : index
    %get3A_51 = arith.constant 0 : index
    %get3A_52 = arith.constant 0 : index
    %get3A_53 = vector.load %arg8[%get3A_50, %get3A_51, %get3A_52] : memref<1x512x512xf32, #tpu.memory_space<vmem>>, vector<1x512x512xf32>
    %get3A_54 = vector.shape_cast %get3A_53 : vector<1x512x512xf32> to vector<512x512xf32>
    %dot_general3A_55 = arith.constant dense<0.000000e+00> : vector<256x512xf32>
    %dot_general3A_56 = tpu.matmul %mul3A_42, %get3A_54, %dot_general3A_55 {dimension_numbers = #tpu.dot_dimension_numbers<[1], [1], [0], [0], [0, 0, 1, 0], [], []>, transpose_lhs_hint = false} : vector<256x512xf32>, vector<512x512xf32>, vector<256x512xf32> -> vector<256x512xf32>
    %concatenate3A_57 = tpu.concatenate %dot_general3A_49, %dot_general3A_56 in 1 : vector<256x512xf32>, vector<256x512xf32> -> vector<256x1024xf32>
    %bitcast_convert_type3A_58 = tpu.bitcast %concatenate3A_57 : vector<256x1024xf32> -> vector<256x1024xi32>
    %slice3A = vector.extract_strided_slice %bitcast_convert_type3A_58 {offsets = [0, 0], sizes = [256, 512], strides = [1, 1]} : vector<256x1024xi32> to vector<256x512xi32>
    %add3A = arith.constant 32768 : i32
    %add3A_59 = vector.broadcast %add3A : i32 to vector<256x512xi32>
    %add3A_60 = arith.addi %slice3A, %add3A_59 : vector<256x512xi32>
    %shift_right_logical3A = arith.constant 16 : i32
    %shift_right_logical3A_61 = vector.broadcast %shift_right_logical3A : i32 to vector<256x512xi32>
    %shift_right_logical3A_62 = arith.shrui %add3A_60, %shift_right_logical3A_61 : vector<256x512xi32>
    %and3A_63 = arith.constant 65535 : i32
    %and3A_64 = vector.broadcast %and3A_63 : i32 to vector<256x512xi32>
    %and3A_65 = arith.andi %shift_right_logical3A_62, %and3A_64 : vector<256x512xi32>
    %slice3A_66 = vector.extract_strided_slice %bitcast_convert_type3A_58 {offsets = [0, 512], sizes = [256, 512], strides = [1, 1]} : vector<256x1024xi32> to vector<256x512xi32>
    %add3A_67 = arith.constant 32768 : i32
    %add3A_68 = vector.broadcast %add3A_67 : i32 to vector<256x512xi32>
    %add3A_69 = arith.addi %slice3A_66, %add3A_68 : vector<256x512xi32>
    %and3A_70 = arith.constant -65536 : i32
    %and3A_71 = vector.broadcast %and3A_70 : i32 to vector<256x512xi32>
    %and3A_72 = arith.andi %add3A_69, %and3A_71 : vector<256x512xi32>
    %or3A = arith.ori %and3A_65, %and3A_72 : vector<256x512xi32>
    %bitcast_convert_type3A_73 = tpu.bitcast %or3A : vector<256x512xi32> -> vector<256x512xf32>
    %swap3A = arith.constant 0 : index
    %swap3A_74 = arith.constant 0 : index
    %swap3A_75 = vector.load %arg9[%swap3A, %swap3A_74] : memref<256x512xf32, #tpu.memory_space<vmem>>, vector<256x512xf32>
    tpu.vector_store %arg9[%swap3A, %swap3A_74], %bitcast_convert_type3A_73 {strides = array<i32>} : memref<256x512xf32, #tpu.memory_space<vmem>>, vector<256x512xf32>,
    return
  }
  func.func @transform_0(%arg0: i32, %arg1: memref<32xi32, #tpu.memory_space<smem>>) -> (i32, i32) {
    %c0_i32 = arith.constant 0 : i32
    %c0_i32_0 = arith.constant 0 : i32
    return %arg0, %c0_i32 : i32, i32
  }
  func.func @transform_1(%arg0: i32, %arg1: memref<32xi32, #tpu.memory_space<smem>>) -> (i32, i32, i32) {
    %get3A = arith.index_cast %arg0 : i32 to index
    %get3A_0 = memref.load %arg1[%get3A] : memref<32xi32, #tpu.memory_space<smem>>
    %c0_i32 = arith.constant 0 : i32
    %c0_i32_1 = arith.constant 0 : i32
    %c0_i32_2 = arith.constant 0 : i32
    return %get3A_0, %c0_i32, %c0_i32_1 : i32, i32, i32
  }
  func.func @transform_2(%arg0: i32, %arg1: memref<32xi32, #tpu.memory_space<smem>>) -> (i32, i32, i32) {
    %get3A = arith.index_cast %arg0 : i32 to index
    %get3A_0 = memref.load %arg1[%get3A] : memref<32xi32, #tpu.memory_space<smem>>
    %c1_i32 = arith.constant 1 : i32
    %c0_i32 = arith.constant 0 : i32
    %c0_i32_1 = arith.constant 0 : i32
    return %get3A_0, %c1_i32, %c0_i32 : i32, i32, i32
  }
  func.func @transform_3(%arg0: i32, %arg1: memref<32xi32, #tpu.memory_space<smem>>) -> (i32, i32, i32) {
    %get3A = arith.index_cast %arg0 : i32 to index
    %get3A_0 = memref.load %arg1[%get3A] : memref<32xi32, #tpu.memory_space<smem>>
    %c0_i32 = arith.constant 0 : i32
    %c0_i32_1 = arith.constant 0 : i32
    %c0_i32_2 = arith.constant 0 : i32
    return %get3A_0, %c0_i32, %c0_i32_1 : i32, i32, i32
  }
  func.func @transform_4(%arg0: i32, %arg1: memref<32xi32, #tpu.memory_space<smem>>) -> (i32, i32, i32) {
    %get3A = arith.index_cast %arg0 : i32 to index
    %get3A_0 = memref.load %arg1[%get3A] : memref<32xi32, #tpu.memory_space<smem>>
    %c1_i32 = arith.constant 1 : i32
    %c0_i32 = arith.constant 0 : i32
    %c0_i32_1 = arith.constant 0 : i32
    return %get3A_0, %c1_i32, %c0_i32 : i32, i32, i32
  }
  func.func @transform_5(%arg0: i32, %arg1: memref<32xi32, #tpu.memory_space<smem>>) -> (i32, i32, i32) {
    %get3A = arith.index_cast %arg0 : i32 to index
    %get3A_0 = memref.load %arg1[%get3A] : memref<32xi32, #tpu.memory_space<smem>>
    %c0_i32 = arith.constant 0 : i32
    %c0_i32_1 = arith.constant 0 : i32
    %c0_i32_2 = arith.constant 0 : i32
    return %get3A_0, %c0_i32, %c0_i32_1 : i32, i32, i32
  }
  func.func @transform_6(%arg0: i32, %arg1: memref<32xi32, #tpu.memory_space<smem>>) -> (i32, i32, i32) {
    %get3A = arith.index_cast %arg0 : i32 to index
    %get3A_0 = memref.load %arg1[%get3A] : memref<32xi32, #tpu.memory_space<smem>>
    %c1_i32 = arith.constant 1 : i32
    %c0_i32 = arith.constant 0 : i32
    %c0_i32_1 = arith.constant 0 : i32
    return %get3A_0, %c1_i32, %c0_i32 : i32, i32, i32
  }
  func.func @transform_7(%arg0: i32, %arg1: memref<32xi32, #tpu.memory_space<smem>>) -> (i32, i32) {
    %c0_i32 = arith.constant 0 : i32
    %c0_i32_0 = arith.constant 0 : i32
    return %arg0, %c0_i32 : i32, i32
  }
}

module attributes {stable_mosaic.version = 14 : i64} {
  func.func @_shared_kernel(%arg0: i32, %arg1: i32, %arg2: memref<1024x1024xf32, #tpu.memory_space<vmem>>, %arg3: memref<1x512x1024xf32, #tpu.memory_space<vmem>>, %arg4: memref<1x512x1024xf32, #tpu.memory_space<vmem>>, %arg5: memref<1x1024x512xf32, #tpu.memory_space<vmem>>, %arg6: memref<1024x1024xf32, #tpu.memory_space<vmem>>) attributes {dimension_semantics = [#tpu.dimension_semantics<parallel>, #tpu.dimension_semantics<arbitrary>], iteration_bounds = array<i64: 2, 2>, scalar_prefetch = 0 : i64, scratch_operands = 0 : i64, tpu.core_type = #tpu.core_type<tc>, window_params = [{transform_indices = @transform_0, window_bounds = array<i64: 1024, 1024>}, {transform_indices = @transform_1, window_bounds = array<i64: 1, 512, 1024>}, {transform_indices = @transform_2, window_bounds = array<i64: 1, 512, 1024>}, {transform_indices = @transform_3, window_bounds = array<i64: 1, 1024, 512>}, {transform_indices = @transform_4, window_bounds = array<i64: 1024, 1024>}]} {
    %eq3A = arith.constant 0 : i32
    %eq3A_0 = arith.cmpi eq, %arg1, %eq3A : i32
    %convert_element_type3A = arith.extui %eq3A_0 : i1 to i32
    %cond3A = arith.constant 0 : i32
    %cond3A_1 = arith.cmpi ne, %convert_element_type3A, %cond3A : i32
    scf.if %cond3A_1 {
      %broadcast_in_dim3A = arith.constant 0.000000e+00 : f32
      %broadcast_in_dim3A_35 = vector.broadcast %broadcast_in_dim3A : f32 to vector<1024x1024xf32>
      %swap3A_36 = arith.constant 0 : index
      %swap3A_37 = arith.constant 0 : index
      %swap3A_38 = vector.load %arg6[%swap3A_36, %swap3A_37] : memref<1024x1024xf32, #tpu.memory_space<vmem>>, vector<1024x1024xf32>
      tpu.vector_store %arg6[%swap3A_36, %swap3A_37], %broadcast_in_dim3A_35 {strides = array<i32>} : memref<1024x1024xf32, #tpu.memory_space<vmem>>, vector<1024x1024xf32>,
    } else {
    }
    %get3A = arith.constant 0 : index
    %get3A_2 = arith.constant 0 : index
    %get3A_3 = vector.load %arg6[%get3A, %get3A_2] : memref<1024x1024xf32, #tpu.memory_space<vmem>>, vector<1024x1024xf32>
    %get3A_4 = arith.constant 0 : index
    %get3A_5 = arith.constant 0 : index
    %get3A_6 = vector.load %arg2[%get3A_4, %get3A_5] : memref<1024x1024xf32, #tpu.memory_space<vmem>>, vector<1024x1024xf32>
    %get3A_7 = arith.constant 0 : index
    %get3A_8 = arith.constant 0 : index
    %get3A_9 = arith.constant 0 : index
    %get3A_10 = vector.load %arg3[%get3A_7, %get3A_8, %get3A_9] : memref<1x512x1024xf32, #tpu.memory_space<vmem>>, vector<1x512x1024xf32>
    %get3A_11 = vector.shape_cast %get3A_10 : vector<1x512x1024xf32> to vector<512x1024xf32>
    %dot_general3A = arith.constant dense<0.000000e+00> : vector<1024x512xf32>
    %dot_general3A_12 = tpu.matmul %get3A_6, %get3A_11, %dot_general3A {dimension_numbers = #tpu.dot_dimension_numbers<[1], [1], [0], [0], [0, 0, 1, 0], [], []>, transpose_lhs_hint = false} : vector<1024x1024xf32>, vector<512x1024xf32>, vector<1024x512xf32> -> vector<1024x512xf32>
    %get3A_13 = arith.constant 0 : index
    %get3A_14 = arith.constant 0 : index
    %get3A_15 = arith.constant 0 : index
    %get3A_16 = vector.load %arg4[%get3A_13, %get3A_14, %get3A_15] : memref<1x512x1024xf32, #tpu.memory_space<vmem>>, vector<1x512x1024xf32>
    %get3A_17 = vector.shape_cast %get3A_16 : vector<1x512x1024xf32> to vector<512x1024xf32>
    %dot_general3A_18 = arith.constant dense<0.000000e+00> : vector<1024x512xf32>
    %dot_general3A_19 = tpu.matmul %get3A_6, %get3A_17, %dot_general3A_18 {dimension_numbers = #tpu.dot_dimension_numbers<[1], [1], [0], [0], [0, 0, 1, 0], [], []>, transpose_lhs_hint = false} : vector<1024x1024xf32>, vector<512x1024xf32>, vector<1024x512xf32> -> vector<1024x512xf32>
    %logistic3A = arith.negf %dot_general3A_12 : vector<1024x512xf32>
    %logistic3A_20 = math.exp %logistic3A : vector<1024x512xf32>
    %logistic3A_21 = arith.constant 1.000000e+00 : f32
    %logistic3A_22 = vector.broadcast %logistic3A_21 : f32 to vector<1024x512xf32>
    %logistic3A_23 = arith.addf %logistic3A_22, %logistic3A_20 : vector<1024x512xf32>
    %logistic3A_24 = arith.divf %logistic3A_22, %logistic3A_23 : vector<1024x512xf32>
    %mul3A = arith.mulf %dot_general3A_12, %logistic3A_24 : vector<1024x512xf32>
    %mul3A_25 = arith.mulf %mul3A, %dot_general3A_19 : vector<1024x512xf32>
    %get3A_26 = arith.constant 0 : index
    %get3A_27 = arith.constant 0 : index
    %get3A_28 = arith.constant 0 : index
    %get3A_29 = vector.load %arg5[%get3A_26, %get3A_27, %get3A_28] : memref<1x1024x512xf32, #tpu.memory_space<vmem>>, vector<1x1024x512xf32>
    %get3A_30 = vector.shape_cast %get3A_29 : vector<1x1024x512xf32> to vector<1024x512xf32>
    %dot_general3A_31 = arith.constant dense<0.000000e+00> : vector<1024x1024xf32>
    %dot_general3A_32 = tpu.matmul %mul3A_25, %get3A_30, %dot_general3A_31 {dimension_numbers = #tpu.dot_dimension_numbers<[1], [1], [0], [0], [0, 0, 1, 0], [], []>, transpose_lhs_hint = false} : vector<1024x512xf32>, vector<1024x512xf32>, vector<1024x1024xf32> -> vector<1024x1024xf32>
    %add3A = arith.addf %get3A_3, %dot_general3A_32 : vector<1024x1024xf32>
    %swap3A = arith.constant 0 : index
    %swap3A_33 = arith.constant 0 : index
    %swap3A_34 = vector.load %arg6[%swap3A, %swap3A_33] : memref<1024x1024xf32, #tpu.memory_space<vmem>>, vector<1024x1024xf32>
    tpu.vector_store %arg6[%swap3A, %swap3A_33], %add3A {strides = array<i32>} : memref<1024x1024xf32, #tpu.memory_space<vmem>>, vector<1024x1024xf32>,
    return
  }
  func.func @transform_0(%arg0: i32, %arg1: i32) -> (i32, i32) {
    %c0_i32 = arith.constant 0 : i32
    %c0_i32_0 = arith.constant 0 : i32
    return %arg0, %c0_i32 : i32, i32
  }
  func.func @transform_1(%arg0: i32, %arg1: i32) -> (i32, i32, i32) {
    %c0_i32 = arith.constant 0 : i32
    %c0_i32_0 = arith.constant 0 : i32
    %c0_i32_1 = arith.constant 0 : i32
    return %arg1, %c0_i32, %c0_i32_0 : i32, i32, i32
  }
  func.func @transform_2(%arg0: i32, %arg1: i32) -> (i32, i32, i32) {
    %c0_i32 = arith.constant 0 : i32
    %c0_i32_0 = arith.constant 0 : i32
    %c0_i32_1 = arith.constant 0 : i32
    return %arg1, %c0_i32, %c0_i32_0 : i32, i32, i32
  }
  func.func @transform_3(%arg0: i32, %arg1: i32) -> (i32, i32, i32) {
    %c0_i32 = arith.constant 0 : i32
    %c0_i32_0 = arith.constant 0 : i32
    %c0_i32_1 = arith.constant 0 : i32
    return %arg1, %c0_i32, %c0_i32_0 : i32, i32, i32
  }
  func.func @transform_4(%arg0: i32, %arg1: i32) -> (i32, i32) {
    %c0_i32 = arith.constant 0 : i32
    %c0_i32_0 = arith.constant 0 : i32
    return %arg0, %c0_i32 : i32, i32
  }
}

module attributes {stable_mosaic.version = 14 : i64} {
  func.func @_combine_kernel(%arg0: i32, %arg1: memref<1024x512xf32, #tpu.memory_space<vmem>>, %arg2: memref<1024x512xf32, #tpu.memory_space<vmem>>, %arg3: memref<1024x2xf32, #tpu.memory_space<vmem>>, %arg4: memref<1024x1024xf32, #tpu.memory_space<vmem>>, %arg5: memref<1024x1024xf32, #tpu.memory_space<vmem>>) attributes {dimension_semantics = [#tpu.dimension_semantics<parallel>], iteration_bounds = array<i64: 2>, scalar_prefetch = 0 : i64, scratch_operands = 0 : i64, tpu.core_type = #tpu.core_type<tc>, window_params = [{transform_indices = @transform_0, window_bounds = array<i64: 1024, 512>}, {transform_indices = @transform_1, window_bounds = array<i64: 1024, 512>}, {transform_indices = @transform_2, window_bounds = array<i64: 1024, 2>}, {transform_indices = @transform_3, window_bounds = array<i64: 1024, 1024>}, {transform_indices = @transform_4, window_bounds = array<i64: 1024, 1024>}]} {
    %get3A = arith.constant 0 : index
    %get3A_0 = arith.constant 0 : index
    %get3A_1 = vector.load %arg3[%get3A, %get3A_0] : memref<1024x2xf32, #tpu.memory_space<vmem>>, vector<1024x2xf32>
    %get3A_2 = arith.constant 0 : index
    %get3A_3 = arith.constant 0 : index
    %get3A_4 = vector.load %arg1[%get3A_2, %get3A_3] : memref<1024x512xf32, #tpu.memory_space<vmem>>, vector<1024x512xf32>
    %bitcast_convert_type3A = tpu.bitcast %get3A_4 : vector<1024x512xf32> -> vector<1024x512xi32>
    %shift_left3A = arith.constant 16 : i32
    %shift_left3A_5 = vector.broadcast %shift_left3A : i32 to vector<1024x512xi32>
    %shift_left3A_6 = arith.shli %bitcast_convert_type3A, %shift_left3A_5 : vector<1024x512xi32>
    %bitcast_convert_type3A_7 = tpu.bitcast %shift_left3A_6 : vector<1024x512xi32> -> vector<1024x512xf32>
    %and3A = arith.constant -65536 : i32
    %and3A_8 = vector.broadcast %and3A : i32 to vector<1024x512xi32>
    %and3A_9 = arith.andi %bitcast_convert_type3A, %and3A_8 : vector<1024x512xi32>
    %bitcast_convert_type3A_10 = tpu.bitcast %and3A_9 : vector<1024x512xi32> -> vector<1024x512xf32>
    %get3A_11 = arith.constant 0 : index
    %get3A_12 = arith.constant 0 : index
    %get3A_13 = vector.load %arg2[%get3A_11, %get3A_12] : memref<1024x512xf32, #tpu.memory_space<vmem>>, vector<1024x512xf32>
    %bitcast_convert_type3A_14 = tpu.bitcast %get3A_13 : vector<1024x512xf32> -> vector<1024x512xi32>
    %shift_left3A_15 = arith.constant 16 : i32
    %shift_left3A_16 = vector.broadcast %shift_left3A_15 : i32 to vector<1024x512xi32>
    %shift_left3A_17 = arith.shli %bitcast_convert_type3A_14, %shift_left3A_16 : vector<1024x512xi32>
    %bitcast_convert_type3A_18 = tpu.bitcast %shift_left3A_17 : vector<1024x512xi32> -> vector<1024x512xf32>
    %and3A_19 = arith.constant -65536 : i32
    %and3A_20 = vector.broadcast %and3A_19 : i32 to vector<1024x512xi32>
    %and3A_21 = arith.andi %bitcast_convert_type3A_14, %and3A_20 : vector<1024x512xi32>
    %bitcast_convert_type3A_22 = tpu.bitcast %and3A_21 : vector<1024x512xi32> -> vector<1024x512xf32>
    %slice3A = vector.extract_strided_slice %get3A_1 {offsets = [0, 0], sizes = [1024, 1], strides = [1, 1]} : vector<1024x2xf32> to vector<1024x1xf32>
    %mul3A = vector.broadcast %slice3A : vector<1024x1xf32> to vector<1024x512xf32>
    %mul3A_23 = arith.mulf %mul3A, %bitcast_convert_type3A_7 : vector<1024x512xf32>
    %slice3A_24 = vector.extract_strided_slice %get3A_1 {offsets = [0, 1], sizes = [1024, 1], strides = [1, 1]} : vector<1024x2xf32> to vector<1024x1xf32>
    %mul3A_25 = vector.broadcast %slice3A_24 : vector<1024x1xf32> to vector<1024x512xf32>
    %mul3A_26 = arith.mulf %mul3A_25, %bitcast_convert_type3A_18 : vector<1024x512xf32>
    %add3A = arith.addf %mul3A_23, %mul3A_26 : vector<1024x512xf32>
    %slice3A_27 = vector.extract_strided_slice %get3A_1 {offsets = [0, 0], sizes = [1024, 1], strides = [1, 1]} : vector<1024x2xf32> to vector<1024x1xf32>
    %mul3A_28 = vector.broadcast %slice3A_27 : vector<1024x1xf32> to vector<1024x512xf32>
    %mul3A_29 = arith.mulf %mul3A_28, %bitcast_convert_type3A_10 : vector<1024x512xf32>
    %slice3A_30 = vector.extract_strided_slice %get3A_1 {offsets = [0, 1], sizes = [1024, 1], strides = [1, 1]} : vector<1024x2xf32> to vector<1024x1xf32>
    %mul3A_31 = vector.broadcast %slice3A_30 : vector<1024x1xf32> to vector<1024x512xf32>
    %mul3A_32 = arith.mulf %mul3A_31, %bitcast_convert_type3A_22 : vector<1024x512xf32>
    %add3A_33 = arith.addf %mul3A_29, %mul3A_32 : vector<1024x512xf32>
    %concatenate3A = tpu.concatenate %add3A, %add3A_33 in 1 : vector<1024x512xf32>, vector<1024x512xf32> -> vector<1024x1024xf32>
    %get3A_34 = arith.constant 0 : index
    %get3A_35 = arith.constant 0 : index
    %get3A_36 = vector.load %arg4[%get3A_34, %get3A_35] : memref<1024x1024xf32, #tpu.memory_space<vmem>>, vector<1024x1024xf32>
    %add3A_37 = arith.addf %concatenate3A, %get3A_36 : vector<1024x1024xf32>
    %swap3A = arith.constant 0 : index
    %swap3A_38 = arith.constant 0 : index
    %swap3A_39 = vector.load %arg5[%swap3A, %swap3A_38] : memref<1024x1024xf32, #tpu.memory_space<vmem>>, vector<1024x1024xf32>
    tpu.vector_store %arg5[%swap3A, %swap3A_38], %add3A_37 {strides = array<i32>} : memref<1024x1024xf32, #tpu.memory_space<vmem>>, vector<1024x1024xf32>,
    return
  }
  func.func @transform_0(%arg0: i32) -> (i32, i32) {
    %c0_i32 = arith.constant 0 : i32
    %c0_i32_0 = arith.constant 0 : i32
    return %arg0, %c0_i32 : i32, i32
  }
  func.func @transform_1(%arg0: i32) -> (i32, i32) {
    %add3A = arith.constant 2 : i32
    %add3A_0 = arith.addi %arg0, %add3A : i32
    %c0_i32 = arith.constant 0 : i32
    %c0_i32_1 = arith.constant 0 : i32
    return %add3A_0, %c0_i32 : i32, i32
  }
  func.func @transform_2(%arg0: i32) -> (i32, i32) {
    %c0_i32 = arith.constant 0 : i32
    %c0_i32_0 = arith.constant 0 : i32
    return %arg0, %c0_i32 : i32, i32
  }
  func.func @transform_3(%arg0: i32) -> (i32, i32) {
    %c0_i32 = arith.constant 0 : i32
    %c0_i32_0 = arith.constant 0 : i32
    return %arg0, %c0_i32 : i32, i32
  }
  func.func @transform_4(%arg0: i32) -> (i32, i32) {
    %c0_i32 = arith.constant 0 : i32
    %c0_i32_0 = arith.constant 0 : i32
    return %arg0, %c0_i32 : i32, i32
  }
}

</mosaic_0001>

<sc_bundles>
// kernel: kernel.11.cloned.1.call-start
scs
__scs_entry_jumppad:
0x0: {  	(pc) =	sbr.rel $0x88, $3  }
0x1: {  	(tag) =	ssettag $0x0;
	lr =	simm.s32 $0x1  }
0x2: {  	[smem:$0x3F99] =	sst lr;
	_ =	strace $0xD0000000  }
0x3: {  	_ = 	snop  }
0x4: {  	_ = 	snop  }
0x5: {  	_ = 	snop  }
0x6: {  	_ = 	snop  }
0x7: {  	_ = 	snop  }
__scs_overlays_trampoline_lowered:
0x8: {  	[smem:$0x3FA8] =	sst s0  }
0x9: {  	[smem:$0x3FA9] =	sst s1  }
0xa: {  	[smem:$0x3FAA] =	sst s2  }
0xb: {  	[smem:$0x3FAB] =	sst s3  }
0xc: {  	[smem:$0x3FAC] =	sst s4  }
0xd: {  	[smem:$0x3FAD] =	sst s5  }
0xe: {  	[smem:$0x3FAE] =	sst s6  }
0xf: {  	[smem:$0x3FAF] =	sst s7  }
0x10: {  	[smem:$0x3FB0] =	sst s8  }
0x11: {  	[smem:$0x3FB1] =	sst s9;
	s0 =	simm.s32 @!p0 $0x0  }
0x12: {  	s1 =	sld [smem:$0x3F97];
	s0 =	simm.s32 @p0 $0x1  }
0x13: {  	[smem:$0x3FB2] =	sst s0;
	s0 =	simm.s32 @!p1 $0x0  }
0x14: {  	s2 =	sld [smem:$0x3F96];
	s0 =	simm.s32 @p1 $0x1  }
0x15: {  	[smem:$0x3FB3] =	sst s0;
	s0 =	simm.s32 @!p2 $0x0  }
0x16: {  	s3 =	sld [smem:$0x3FDB];
	s0 =	simm.s32 @p2 $0x1  }
0x17: {  	s4 =	simm.s32 $0x1BF5;
	[smem:$0x3FB5] =	sst s0  }
0x18: {  	s0 =	sld [smem:$0x3F98];
	_ =	swait.ge [sflag:s4], $0x0  }
0x19: {  	s7 =	sld [smem:$0x3F99]  }
0x1a: {  	s8 =	sadd.s32 $0xFFFFE003, lr  }
0x1b: {  	s9 =	sadd.s32 $0xFFFFFEF7, lr;
	s5 =	simm.s32 $0xFFFFFFFF;
	p2 =	slt.u32 s8, $0xFFFFF086  }
0x1c: {  	p1 =	slt.u32 s9, $0xF7A;
	s5 =	simm.s32 @!p2 $0x0  }
0x1d: {  	s5 =	simm.s32 @p1 $0x1;
	p0 =	seq.s32 s7, s2  }
0x1e: {  	s7 =	smul.u32 @!p0 $0xF7A, s2;
	p2 =	seq.s32 @!p0 s5, $0x0  }
0x1f: {  	s9 =	smul.u32 $0xF7A, s1;
	s8 =	simm.s32 @!p0 $0x1BF5;
	p2 =	por !p2, p0  }
0x20: {  	[sflag:s8] =	ssyncset.s32 @!p0 $0xFFFFF086;
	s6 =	sadd.s32 @!p0 s3, s7;
	s7 =	simm.s32 @!p0 $0x108  }
0x21: {  	s3 =	sadd.s32 s3, s9;
	s6 =	sadd.s32 @!p0 $0x88, s6;
	s7 =	simm.s32 @p2 $0x1082  }
0x22: {  	[simem:s7], [sflag:s8] =	dma.local @!p0 [hbm:s6], $0xF7A  }
0x23: {  	s9 =	sor.u32 $0xD0000000, s2;
	s6 =	simm.s32 $0x108;
	_ =	swait.ge @!p0 [sflag:s8], $0x0  }
0x24: {  	s3 =	sadd.s32 $0x88, s3;
	s6 =	simm.s32 @!p1 $0x1082;
	[sflag:s4] =	ssyncset.s32 $0xFFFFF086  }
0x25: {  	[simem:s6], [sflag:s4] =	dma.local [hbm:s3], $0xF7A  }
0x26: {  	[smem:$0x3F99] =	sst s1;
	(tag) =	ssettag s2;
	_ =	strace s9  }
0x27: {  	s1 =	sld [smem:$0x3FA9]  }
0x28: {  	s2 =	sld [smem:$0x3FAA]  }
0x29: {  	s4 =	sld [smem:$0x3FAC]  }
0x2a: {  	p0 =	seq.s32 s5, $0x0;
	s5 =	sld [smem:$0x3FAD]  }
0x2b: {  	s6 =	sld [smem:$0x3FAE]  }
0x2c: {  	s7 =	sld [smem:$0x3FAF]  }
0x2d: {  	s3 =	simm.s32 $0x108;
	s8 =	sld [smem:$0x3FB0]  }
0x2e: {  	s3 =	simm.s32 @!p0 $0x1082;
	s9 =	sld [smem:$0x3FB1]  }
0x2f: {  	lr =	sadd.s32 s0, s3;
	s0 =	sld [smem:$0x3FA8]  }
0x30: {  	s3 =	sld [smem:$0x3FAB]  }
0x31: {  	[smem:$0x3FB4] =	sst s10  }
0x32: {  	s10 =	sld [smem:$0x3FB2];
	_ =	sdelay $0x3  }
0x33: {  	p0 =	seq.s32 s10, $0x1;
	s10 =	sld [smem:$0x3FB4];
	_ =	sdelay $0x3  }
0x34: {  	[smem:$0x3FB4] =	sst s10  }
0x35: {  	s10 =	sld [smem:$0x3FB3];
	_ =	sdelay $0x3  }
0x36: {  	p1 =	seq.s32 s10, $0x1;
	s10 =	sld [smem:$0x3FB4];
	_ =	sdelay $0x3  }
0x37: {  	[smem:$0x3FB4] =	sst s10  }
0x38: {  	s10 =	sld [smem:$0x3FB5]  }
0x39: {  	_ = 	snop;
	(pc) =	sbr.ind lr, $3  }
0x3a: {  	_ = 	snop  }
0x3b: {  	_ = 	snop  }
0x3c: {  	p2 =	seq.s32 s10, $0x1;
	s10 =	sld [smem:$0x3FB4]  }
0x3d: {  	_ =	shalt  }
0x3e: {  	_ =	shalt  }
0x3f: {  	_ =	shalt  }
0x40: {  	_ =	shalt  }
0x41: {  	_ =	shalt  }
0x42: {  	_ =	shalt  }
0x43: {  	_ =	shalt  }
0x44: {  	_ =	shalt  }
0x45: {  	_ =	shalt  }
0x46: {  	_ =	shalt  }
0x47: {  	_ =	shalt  }
0x48: {  	_ =	shalt  }
0x49: {  	_ =	shalt  }
0x4a: {  	_ =	shalt  }
0x4b: {  	_ =	shalt  }
0x4c: {  	_ =	shalt  }
0x4d: {  	_ =	shalt  }
0x4e: {  	_ =	shalt  }
0x4f: {  	_ =	shalt  }
0x50: {  	_ =	shalt  }
0x51: {  	_ =	shalt  }
0x52: {  	_ =	shalt  }
0x53: {  	_ =	shalt  }
0x54: {  	_ =	shalt  }
0x55: {  	_ =	shalt  }
0x56: {  	_ =	shalt  }
0x57: {  	_ =	shalt  }
0x58: {  	_ =	shalt  }
0x59: {  	_ =	shalt  }
0x5a: {  	_ =	shalt  }
0x5b: {  	_ =	shalt  }
0x5c: {  	_ =	shalt  }
0x5d: {  	_ =	shalt  }
0x5e: {  	_ =	shalt  }
0x5f: {  	_ =	shalt  }
0x60: {  	_ =	shalt  }
0x61: {  	_ =	shalt  }
0x62: {  	_ =	shalt  }
0x63: {  	_ =	shalt  }
0x64: {  	_ =	shalt  }
0x65: {  	_ =	shalt  }
0x66: {  	_ =	shalt  }
0x67: {  	_ =	shalt  }
0x68: {  	_ =	shalt  }
0x69: {  	_ =	shalt  }
0x6a: {  	_ =	shalt  }
0x6b: {  	_ =	shalt  }
0x6c: {  	_ =	shalt  }
0x6d: {  	_ =	shalt  }
0x6e: {  	_ =	shalt  }
0x6f: {  	_ =	shalt  }
0x70: {  	_ =	shalt  }
0x71: {  	_ =	shalt  }
0x72: {  	_ =	shalt  }
0x73: {  	_ =	shalt  }
0x74: {  	_ =	shalt  }
0x75: {  	_ =	shalt  }
0x76: {  	_ =	shalt  }
0x77: {  	_ =	shalt  }
0x78: {  	_ =	shalt  }
0x79: {  	_ =	shalt  }
0x7a: {  	_ =	shalt  }
0x7b: {  	_ =	shalt  }
0x7c: {  	_ =	shalt  }
0x7d: {  	_ =	shalt  }
0x7e: {  	_ =	shalt  }
0x7f: {  	_ =	shalt  }
0x80: {  	_ =	shalt  }
0x81: {  	_ =	shalt  }
0x82: {  	_ =	shalt  }
0x83: {  	_ =	shalt  }
0x84: {  	_ =	shalt  }
0x85: {  	_ =	shalt  }
0x86: {  	_ =	shalt  }
0x87: {  	_ =	shalt  }
.Lfunc_end0:
.L_simem_size_0:
called_computation.1_lowered:
.L_overlay_start_0:
0x88: {  	s2 =	sld [smem:$0x3FD9]  }
0x89: {  	s3 =	sld [smem:$0x3FFE];
	_ =	sdelay $0x1  }
0x8a: {  	s1 =	srdreg.scid  }
0x8b: {  	s0 =	sand.u32 $0x1, s1  }
0x8c: {  	s17 =	sshll.u32 s0, $0xA;
	s2 =	sadd.s32 s3, s2  }
0x8d: {  	s2 =	sadd.s32 s2, s17  }
0x8e: {  	[smem:$0x3FC0] =	sst s2  }
0x8f: {  	_ = 	snop  }
0x90: {  	s2 =	sld [smem:$0x3FD0];
	(tm) =	ssettm $0x1  }
0x91: {  	s18 =	sld [smem:$0x3FFB];
	_ =	sdelay $0x3  }
0x92: {  	_ =	strace s18  }
0x93: {  	s3 =	sld [smem:$0x3FFC];
	_ =	sdelay $0x3  }
0x94: {  	_ =	strace s3  }
0x95: {  	s3 =	sld [smem:$0x3FFD];
	_ =	sdelay $0x3  }
0x96: {  	_ =	strace s3  }
0x97: {  	_ =	strace $0x8FFFFFFF  }
0x98: {  	s19 =	sld [smem:$0x3FDB];
	_ =	sdelay $0x1  }
0x99: {  	s4 =	simm.s32 $_scs_section_size  }
0x9a: {  	s5 =	simm.s32 $_size__tile_overlayer_lowered;
	s6 =	simm.s32 $_tile_overlayer_lowered  }
0x9b: {  	s22 =	simm.s32 $0x1BFF;
	s21 =	sshll.u32 s6, $0x1;
	s3 =	sadd.s32 s4, s19  }
0x9c: {  	s7 =	simm.s32 $0x0;
	s20 =	sshll.u32 s5, $0x1;
	s5 =	sadd.s32 s21, s3  }
0x9d: {  	[timem:s7], [sflag:s22] =	dma.local [hbm:s5], s20  }
0x9e: {  	_ =	swait.ge [sflag:s22], s20  }
0x9f: {  	s4 =	ssub.s32 $0x0, s20;
	[sflag:s22] =	ssyncset.done $0x0  }
0xa0: {  	[sflag:s22] =	ssyncadd.s32 s4;
	_ =	sdelay $0x1  }
0xa1: {  	s23 =	simm.s32 $0x1B8B  }
0xa2: {  	_ =	swait.ge [sflag:s23], $0x1  }
0xa3: {  	[sflag:s23] =	ssyncset.done $0x0  }
0xa4: {  	s25 =	simm.s32 $0x1B8E;
	s24 =	sld [smem:$0x3FFE];
	[sflag:s23] =	ssyncadd.s32 $0xFFFFFFFF  }
0xa5: {  	s26 =	simm.s32 $execute0_lowered;
	[smem:$0x3FD2] =	sst s25  }
0xa6: {  	s5 =	sshll.u32 s26, $0x1;
	_ =	strace $0x80000049;
	[dreg:$0x1] =	wrdreg $0xFFFFFFFF  }
0xa7: {  	s28 =	simm.s32 $_size_execute0_lowered;
	s3 =	sadd.s32 s3, s5;
	[dreg:$0x0] =	wrdreg $0x0  }
0xa8: {  	s5 =	sshll.u32 s28, $0x1;
	[dreg:$0x2] =	wrdreg s3  }
0xa9: {  	[dreg:$0x3] =	wrdreg s5  }
0xaa: {  	[dreg:$0x4] =	wrdreg $0xC0  }
0xab: {  	_ =	task [dreg:s7], $0x5FFFF  }
0xac: {  	[dreg:$0x1] =	wrdreg $0xFFFFFFFF  }
0xad: {  	[dreg:$0x0] =	wrdreg $0x60  }
0xae: {  	[dreg:$0x2] =	wrdreg s24  }
0xaf: {  	[dreg:$0x3] =	wrdreg s2  }
0xb0: {  	[dreg:$0x4] =	wrdreg $0x9  }
0xb1: {  	_ =	task.clear_ibuf [dreg:s7], $0x5FFFF;
	_ =	strace $0x90000049  }
0xb2: {  	s29 =	simm.s32 $0x9;
	_ =	strace $0x8000004B  }
0xb3: {  	_ =	swait.ge [sflag:s29], $0x1  }
0xb4: {  	[sflag:s29] =	ssyncadd.s32 $0xFFFFFFFF  }
0xb5: {  	_ =	strace $0x9000004B  }
0xb6: {  	_ =	sfence  }
0xb7: {  	s30 =	sld [smem:$0x0];
	_ =	sdelay $0x2  }
0xb8: {  	s31 =	sshll.u32 s1, $0xD;
	s1 =	sshrl.u32 s1, $0x2  }
0xb9: {  	s3 =	sand.u32 $0x4000, s31;
	s1 =	sadd.s32 s1, s30  }
0xba: {  	s0 =	sor.u32 s3, s0;
	s1 =	sshll.u32 s1, $0x11  }
0xbb: {  	s0 =	sor.u32 s1, s0  }
0xbc: {  	s0 =	sadd.s32 $0x8F2B, s0  }
0xbd: {  	[sflag:s0] =	ssyncadd.remote.s32 $0x1  }
0xbe: {  	_ =	sfence.sel $0xFFFF  }
0xbf: {  	[dreg:$0x0] =	wrdreg $0xFFFFFFFF;
	(pc) =	sbr.abs _section_cstart, $3  }
0xc0: {  	[dreg:$0x1] =	wrdreg $0xFFFFFFFF  }
0xc1: {  	_ =	task.clear_ibuf [dreg:s7], $0x2FFFF;
	_ =	strace $0x9FFFFFFF  }
0xc2: {  	(tm) =	ssettm $0x7FFFFFFF  }
0xc3: {  	_ =	shalt  }
tec
execute0_lowered:
.L_overlay_start_1:
0x0: {  	(tag) =	ssettag $0x1  }
0x1: {  	s4 =	rddreg [dreg:$0x0]  }
0x2: {  	s9 =	rddreg [dreg:$0x1]  }
0x3: {  	s0 =	rddreg [dreg:$0x2];
	s1 =	simm.s32 $0x0  }
0x4: {  	s5 =	srdreg.scid;
	s2 =	stileid.u32;
	s12 =	simm.s32 $0x880  }
0x5: {  	s13 =	simm.s32 $0x1080;
	s14 =	simm.s32 $0x1880;
	s15 =	simm.s32 $0x2080  }
0x6: {  	s16 =	simm.s32 $0x2880;
	s17 =	simm.s32 $0x3080;
	s18 =	simm.s32 $0x3880  }
0x7: {  	s19 =	simm.s32 $0x4080;
	s20 =	simm.s32 $0x4880;
	s21 =	simm.s32 $0x5080  }
0x8: {  	s22 =	simm.s32 $0x5880;
	s23 =	simm.s32 $0x6080;
	s24 =	simm.s32 $0x6880  }
0x9: {  	s25 =	simm.s32 $0x7080;
	s26 =	simm.s32 $0x7880;
	s28 =	simm.s32 $0x1  }
0xa: {  	[smem:$0x7FF] =	sst s1;
	s3 =	sadd.s32 $0x1A00, s4;
	s5 =	sand.u32 $0x1, s5  }
0xb: {  	s7 =	sshll.u32 s2, $0x8;
	s8 =	sadd.s32 $0x1800, s4;
	s6 =	ssub.s32 $0x2, s5  }
0xc: {  	s4 =	sadd.s32 $0x1B00, s4;
	s5 =	sshll.u32 s5, $0x7;
	s10 =	sshrl.u32 s6, $0x1  }
0xd: {  	_ =	strace $0x8000004A;
	s7 =	sor.u32 s5, s7;
	s6 =	ssub.s32 s6, s10  }
0xe: {  	s5 =	sshrl.u32 s7, $0x3;
	s31 =	sor.u32 $0x40, s7;
	s7 =	sshll.u32 s7, $0x6  }
0xf: {  	v2 =	vlaneseq.u32;
	s5 =	sadd.s32 s8, s5;
	s6 =	smax.u32 s6, $0x1;
	s11 =	sshrl.u32 s31, $0x3  }
0x10: {  	vm0 =	vmmov $0xffff;
	v1 =	vshrl.u32 v2, $0x3;
	s10 =	sshll.u32 s31, $0x6;
	s7 =	sadd.s32 s9, s7;
	s8 =	sadd.s32 s8, s11  }
0x11: {  	v0 =	vand.u32 $0x7, v2;
	v2 =	vor.u32 $0x8, v2;
	v1 =	vmul.u32 $0x8, v1;
	s9 =	sadd.s32 s9, s10;
	s10 =	simm.s32 $0x2;
	s11 =	simm.s32 $0x80  }
.LBB2_1:
0x12: {  	[tilespmem:s1], [sflag:$0x2] =	stream.linear.gather [hbm4b:s5+s1], $0x40, $0x38;
	[tilespmem:$0x8080] =	vst v63  }
0x13: {  	_ =	swait.ge [sflag:s10], $0x40  }
0x14: {  	[sflag:s10] =	ssyncset.done $0x0  }
0x15: {  	[sflag:s10] =	ssyncadd.s32 $0xFFFFFFC0  }
0x16: {  	v3 =	vld [tilespmem:$0x0];
	_ =	sdelay $0x4  }
0x17: {  	v4 =	vshll.u32 v3, $0x2  }
0x18: {  	v3 =	vand.u32 $0x7, v3;
	v4 =	vand.u32 $0xFFFFFFE0, v4  }
0x19: {  	v3 =	vor.u32 v3, v4  }
0x1a: {  	v4 =	vperm.xlane v3, v0;
	_ =	sdelay $0x1  }
0x1b: {  	v4 =	vadd.s32 v1, v4;
	_ =	sdelay $0x1  }
0x1c: {  	v3 =	vperm.xlane v3, v2;
	_ =	sdelay $0x1  }
0x1d: {  	v3 =	vadd.s32 v1, v3  }
0x1e: {  	[tilespmem:s11], [sflag:$0x1] =	stream.indirect_vreg.gather [hbm4b:s3+s1], $0x80, v4, vm0, $0xb8;
	[tilespmem:$0x8080] =	vst v63  }
0x1f: {  	_ = 	snop  }
0x20: {  	[tilespmem:s12], [sflag:$0x1] =	stream.indirect_vreg.gather [hbm4b:s4+s1], $0x80, v4, vm0, $0xb8;
	[tilespmem:$0x8080] =	vst v63  }
0x21: {  	_ = 	snop  }
0x22: {  	[tilespmem:s13], [sflag:$0x1] =	stream.indirect_vreg.gather [hbm4b:s3+s1], $0x80, v3, vm0, $0xb8;
	[tilespmem:$0x8080] =	vst v63  }
0x23: {  	_ = 	snop  }
0x24: {  	[tilespmem:s14], [sflag:$0x1] =	stream.indirect_vreg.gather [hbm4b:s4+s1], $0x80, v3, vm0, $0xb8;
	[tilespmem:$0x8080] =	vst v63  }
0x25: {  	v3 =	vld [tilespmem:$0x10];
	_ =	sdelay $0x4  }
0x26: {  	v57 =	vshll.u32 v3, $0x2  }
0x27: {  	v3 =	vand.u32 $0x7, v3;
	v4 =	vand.u32 $0xFFFFFFE0, v57  }
0x28: {  	v3 =	vor.u32 v3, v4  }
0x29: {  	v4 =	vperm.xlane v3, v0;
	_ =	sdelay $0x1  }
0x2a: {  	v4 =	vadd.s32 v1, v4;
	_ =	sdelay $0x1  }
0x2b: {  	v3 =	vperm.xlane v3, v2;
	_ =	sdelay $0x1  }
0x2c: {  	v3 =	vadd.s32 v1, v3  }
0x2d: {  	[tilespmem:s15], [sflag:$0x1] =	stream.indirect_vreg.gather [hbm4b:s3+s1], $0x80, v4, vm0, $0xb8;
	[tilespmem:$0x8080] =	vst v63  }
0x2e: {  	_ = 	snop  }
0x2f: {  	[tilespmem:s16], [sflag:$0x1] =	stream.indirect_vreg.gather [hbm4b:s4+s1], $0x80, v4, vm0, $0xb8;
	[tilespmem:$0x8080] =	vst v63  }
0x30: {  	_ = 	snop  }
0x31: {  	[tilespmem:s17], [sflag:$0x1] =	stream.indirect_vreg.gather [hbm4b:s3+s1], $0x80, v3, vm0, $0xb8;
	[tilespmem:$0x8080] =	vst v63  }
0x32: {  	_ = 	snop  }
0x33: {  	[tilespmem:s18], [sflag:$0x1] =	stream.indirect_vreg.gather [hbm4b:s4+s1], $0x80, v3, vm0, $0xb8;
	[tilespmem:$0x8080] =	vst v63  }
0x34: {  	v3 =	vld [tilespmem:$0x20];
	_ =	sdelay $0x4  }
0x35: {  	v58 =	vshll.u32 v3, $0x2  }
0x36: {  	v3 =	vand.u32 $0x7, v3;
	v4 =	vand.u32 $0xFFFFFFE0, v58  }
0x37: {  	v3 =	vor.u32 v3, v4  }
0x38: {  	v4 =	vperm.xlane v3, v0;
	_ =	sdelay $0x1  }
0x39: {  	v4 =	vadd.s32 v1, v4;
	_ =	sdelay $0x1  }
0x3a: {  	v3 =	vperm.xlane v3, v2;
	_ =	sdelay $0x1  }
0x3b: {  	v3 =	vadd.s32 v1, v3  }
0x3c: {  	[tilespmem:s19], [sflag:$0x1] =	stream.indirect_vreg.gather [hbm4b:s3+s1], $0x80, v4, vm0, $0xb8;
	[tilespmem:$0x8080] =	vst v63  }
0x3d: {  	_ = 	snop  }
0x3e: {  	[tilespmem:s20], [sflag:$0x1] =	stream.indirect_vreg.gather [hbm4b:s4+s1], $0x80, v4, vm0, $0xb8;
	[tilespmem:$0x8080] =	vst v63  }
0x3f: {  	_ = 	snop  }
0x40: {  	[tilespmem:s21], [sflag:$0x1] =	stream.indirect_vreg.gather [hbm4b:s3+s1], $0x80, v3, vm0, $0xb8;
	[tilespmem:$0x8080] =	vst v63  }
0x41: {  	_ = 	snop  }
0x42: {  	[tilespmem:s22], [sflag:$0x1] =	stream.indirect_vreg.gather [hbm4b:s4+s1], $0x80, v3, vm0, $0xb8;
	[tilespmem:$0x8080] =	vst v63  }
0x43: {  	v3 =	vld [tilespmem:$0x30];
	_ =	sdelay $0x4  }
0x44: {  	v59 =	vshll.u32 v3, $0x2  }
0x45: {  	v3 =	vand.u32 $0x7, v3;
	v4 =	vand.u32 $0xFFFFFFE0, v59  }
0x46: {  	v3 =	vor.u32 v3, v4  }
0x47: {  	v4 =	vperm.xlane v3, v0;
	_ =	sdelay $0x1  }
0x48: {  	v4 =	vadd.s32 v1, v4;
	_ =	sdelay $0x1  }
0x49: {  	v3 =	vperm.xlane v3, v2;
	_ =	sdelay $0x1  }
0x4a: {  	v3 =	vadd.s32 v1, v3  }
0x4b: {  	[tilespmem:s23], [sflag:$0x1] =	stream.indirect_vreg.gather [hbm4b:s3+s1], $0x80, v4, vm0, $0xb8;
	[tilespmem:$0x8080] =	vst v63  }
0x4c: {  	_ = 	snop  }
0x4d: {  	[tilespmem:s24], [sflag:$0x1] =	stream.indirect_vreg.gather [hbm4b:s4+s1], $0x80, v4, vm0, $0xb8;
	[tilespmem:$0x8080] =	vst v63  }
0x4e: {  	_ = 	snop  }
0x4f: {  	[tilespmem:s25], [sflag:$0x1] =	stream.indirect_vreg.gather [hbm4b:s3+s1], $0x80, v3, vm0, $0xb8;
	[tilespmem:$0x8080] =	vst v63  }
0x50: {  	_ = 	snop  }
0x51: {  	[tilespmem:s26], [sflag:$0x1] =	stream.indirect_vreg.gather [hbm4b:s4+s1], $0x80, v3, vm0, $0xb8;
	[tilespmem:$0x8080] =	vst v63  }
0x52: {  	_ =	swait.ge [sflag:s28], $0x8000  }
0x53: {  	[sflag:s28] =	ssyncset.done $0x0  }
0x54: {  	[sflag:s28] =	ssyncadd.s32 $0xFFFF8000  }
0x55: {  	[hbm4b:s7+s1] =	stream.linear.scatter [tilespmem:s11], [sflag:$0x2], $0x8000, $0x38;
	[tilespmem:$0x8080] =	vst v63  }
0x56: {  	_ =	swait.ge [sflag:s10], $0x8000  }
0x57: {  	[sflag:s10] =	ssyncset.done $0x0  }
0x58: {  	[sflag:s10] =	ssyncadd.s32 $0xFFFF8000  }
0x59: {  	[tilespmem:s1], [sflag:$0x2] =	stream.linear.gather [hbm4b:s8+s1], $0x40, $0x38;
	[tilespmem:$0x8080] =	vst v63  }
0x5a: {  	_ =	swait.ge [sflag:s10], $0x40  }
0x5b: {  	[sflag:s10] =	ssyncset.done $0x0  }
0x5c: {  	[sflag:s10] =	ssyncadd.s32 $0xFFFFFFC0  }
0x5d: {  	v3 =	vld [tilespmem:$0x0];
	_ =	sdelay $0x4  }
0x5e: {  	v60 =	vshll.u32 v3, $0x2  }
0x5f: {  	v3 =	vand.u32 $0x7, v3;
	v4 =	vand.u32 $0xFFFFFFE0, v60  }
0x60: {  	v3 =	vor.u32 v3, v4  }
0x61: {  	v4 =	vperm.xlane v3, v0;
	_ =	sdelay $0x1  }
0x62: {  	v4 =	vadd.s32 v1, v4;
	_ =	sdelay $0x1  }
0x63: {  	v3 =	vperm.xlane v3, v2;
	_ =	sdelay $0x1  }
0x64: {  	v3 =	vadd.s32 v1, v3  }
0x65: {  	[tilespmem:s11], [sflag:$0x1] =	stream.indirect_vreg.gather [hbm4b:s3+s1], $0x80, v4, vm0, $0xb8;
	[tilespmem:$0x8080] =	vst v63  }
0x66: {  	_ = 	snop  }
0x67: {  	[tilespmem:s12], [sflag:$0x1] =	stream.indirect_vreg.gather [hbm4b:s4+s1], $0x80, v4, vm0, $0xb8;
	[tilespmem:$0x8080] =	vst v63  }
0x68: {  	_ = 	snop  }
0x69: {  	[tilespmem:s13], [sflag:$0x1] =	stream.indirect_vreg.gather [hbm4b:s3+s1], $0x80, v3, vm0, $0xb8;
	[tilespmem:$0x8080] =	vst v63  }
0x6a: {  	_ = 	snop  }
0x6b: {  	[tilespmem:s14], [sflag:$0x1] =	stream.indirect_vreg.gather [hbm4b:s4+s1], $0x80, v3, vm0, $0xb8;
	[tilespmem:$0x8080] =	vst v63  }
0x6c: {  	v3 =	vld [tilespmem:$0x10];
	_ =	sdelay $0x4  }
0x6d: {  	v61 =	vshll.u32 v3, $0x2  }
0x6e: {  	v3 =	vand.u32 $0x7, v3;
	v4 =	vand.u32 $0xFFFFFFE0, v61  }
0x6f: {  	v3 =	vor.u32 v3, v4  }
0x70: {  	v4 =	vperm.xlane v3, v0;
	_ =	sdelay $0x1  }
0x71: {  	v4 =	vadd.s32 v1, v4;
	_ =	sdelay $0x1  }
0x72: {  	v3 =	vperm.xlane v3, v2;
	_ =	sdelay $0x1  }
0x73: {  	v3 =	vadd.s32 v1, v3  }
0x74: {  	[tilespmem:s15], [sflag:$0x1] =	stream.indirect_vreg.gather [hbm4b:s3+s1], $0x80, v4, vm0, $0xb8;
	[tilespmem:$0x8080] =	vst v63  }
0x75: {  	_ = 	snop  }
0x76: {  	[tilespmem:s16], [sflag:$0x1] =	stream.indirect_vreg.gather [hbm4b:s4+s1], $0x80, v4, vm0, $0xb8;
	[tilespmem:$0x8080] =	vst v63  }
0x77: {  	_ = 	snop  }
0x78: {  	[tilespmem:s17], [sflag:$0x1] =	stream.indirect_vreg.gather [hbm4b:s3+s1], $0x80, v3, vm0, $0xb8;
	[tilespmem:$0x8080] =	vst v63  }
0x79: {  	_ = 	snop  }
0x7a: {  	[tilespmem:s18], [sflag:$0x1] =	stream.indirect_vreg.gather [hbm4b:s4+s1], $0x80, v3, vm0, $0xb8;
	[tilespmem:$0x8080] =	vst v63  }
0x7b: {  	v3 =	vld [tilespmem:$0x20];
	_ =	sdelay $0x4  }
0x7c: {  	v62 =	vshll.u32 v3, $0x2  }
0x7d: {  	v3 =	vand.u32 $0x7, v3;
	v4 =	vand.u32 $0xFFFFFFE0, v62  }
0x7e: {  	v3 =	vor.u32 v3, v4  }
0x7f: {  	v4 =	vperm.xlane v3, v0;
	_ =	sdelay $0x1  }
0x80: {  	v4 =	vadd.s32 v1, v4;
	_ =	sdelay $0x1  }
0x81: {  	v3 =	vperm.xlane v3, v2;
	_ =	sdelay $0x1  }
0x82: {  	v3 =	vadd.s32 v1, v3  }
0x83: {  	[tilespmem:s19], [sflag:$0x1] =	stream.indirect_vreg.gather [hbm4b:s3+s1], $0x80, v4, vm0, $0xb8;
	[tilespmem:$0x8080] =	vst v63  }
0x84: {  	_ = 	snop  }
0x85: {  	[tilespmem:s20], [sflag:$0x1] =	stream.indirect_vreg.gather [hbm4b:s4+s1], $0x80, v4, vm0, $0xb8;
	[tilespmem:$0x8080] =	vst v63  }
0x86: {  	_ = 	snop  }
0x87: {  	[tilespmem:s21], [sflag:$0x1] =	stream.indirect_vreg.gather [hbm4b:s3+s1], $0x80, v3, vm0, $0xb8;
	[tilespmem:$0x8080] =	vst v63  }
0x88: {  	_ = 	snop  }
0x89: {  	[tilespmem:s22], [sflag:$0x1] =	stream.indirect_vreg.gather [hbm4b:s4+s1], $0x80, v3, vm0, $0xb8;
	[tilespmem:$0x8080] =	vst v63  }
0x8a: {  	v3 =	vld [tilespmem:$0x30];
	_ =	sdelay $0x4  }
0x8b: {  	v63 =	vshll.u32 v3, $0x2  }
0x8c: {  	v3 =	vand.u32 $0x7, v3;
	v4 =	vand.u32 $0xFFFFFFE0, v63  }
0x8d: {  	v3 =	vor.u32 v3, v4  }
0x8e: {  	v4 =	vperm.xlane v3, v0;
	_ =	sdelay $0x1  }
0x8f: {  	v4 =	vadd.s32 v1, v4;
	_ =	sdelay $0x1  }
0x90: {  	v3 =	vperm.xlane v3, v2;
	_ =	sdelay $0x1  }
0x91: {  	v3 =	vadd.s32 v1, v3  }
0x92: {  	[tilespmem:s23], [sflag:$0x1] =	stream.indirect_vreg.gather [hbm4b:s3+s1], $0x80, v4, vm0, $0xb8;
	[tilespmem:$0x8080] =	vst v63  }
0x93: {  	_ = 	snop  }
0x94: {  	[tilespmem:s24], [sflag:$0x1] =	stream.indirect_vreg.gather [hbm4b:s4+s1], $0x80, v4, vm0, $0xb8;
	[tilespmem:$0x8080] =	vst v63  }
0x95: {  	_ = 	snop  }
0x96: {  	[tilespmem:s25], [sflag:$0x1] =	stream.indirect_vreg.gather [hbm4b:s3+s1], $0x80, v3, vm0, $0xb8;
	[tilespmem:$0x8080] =	vst v63  }
0x97: {  	_ = 	snop  }
0x98: {  	[tilespmem:s26], [sflag:$0x1] =	stream.indirect_vreg.gather [hbm4b:s4+s1], $0x80, v3, vm0, $0xb8;
	[tilespmem:$0x8080] =	vst v63  }
0x99: {  	_ =	swait.ge [sflag:s28], $0x8000  }
0x9a: {  	p0 =	sne.s32 s6, $0x1;
	[sflag:s28] =	ssyncset.done $0x0  }
.Ltmp0:
0x9b: {  	[sflag:s28] =	ssyncadd.s32 $0xFFFF8000;
	(pc) =	sbr.rel @p0 .LBB2_1-.Ltmp0, $4  }
0x9c: {  	[hbm4b:s9+s1] =	stream.linear.scatter [tilespmem:s11], [sflag:$0x2], $0x8000, $0x38;
	[tilespmem:$0x8080] =	vst v63  }
0x9d: {  	_ =	swait.ge [sflag:s10], $0x8000  }
0x9e: {  	[sflag:s10] =	ssyncset.done $0x0  }
0x9f: {  	s6 =	sadd.s32 $0xFFFFFFFF, s6;
	[sflag:s10] =	ssyncadd.s32 $0xFFFF8000  }
0xa0: {  	_ =	sfence.sel $0x180000  }
0xa1: {  	[bflag:$0x0] =	sbarrier.arrive $0xFFFF  }
0xa2: {  	p0 =	sne.s32 s2, $0x0;
	_ =	strace $0x9000004A  }
0xa3: {  	s0 =	sadd.s32 @!p0 $0x100000, s0;
	[bflag:$0x2] =	sbarrier.arrive $0xFFFF  }
0xa4: {  	[sflag:s0] =	ssyncadd.tile.s32 @!p0 $0x1;
	_ =	shalt  }
.Lfunc_end2:
_tile_overlayer_lowered:
.L_overlay_start_2:
0xa5: {  	(tag) =	ssettag $0x2  }
0xa6: {  	s0 =	rddreg [dreg:$0x0];
	s2 =	stileid.u32  }
0xa7: {  	s1 =	rddreg [dreg:$0x1];
	p0 =	sne.s32 s2, $0x0  }
0xa8: {  	s3 =	rddreg [dreg:$0x2];
	[bflag:$0x3] =	sbarrier.arrive $0xFFFF;
	s2 =	simm.s32 @!p0 $0x1C02  }
0xa9: {  	[timem:s3], [sflag:s2] =	dma.local @!p0 [hbm:s0], s1  }
0xaa: {  	s0 =	simm.s32 @!p0 $0x2  }
0xab: {  	_ =	swait.ge @!p0 [sflag:s0], s1  }
0xac: {  	s1 =	ssub.s32 @!p0 $0x0, s1;
	[sflag:s0] =	ssyncset.done @!p0 $0x0  }
0xad: {  	[sflag:s0] =	ssyncadd.s32 @!p0 s1  }
0xae: {  	[bflag:$0x3] =	sbarrier.arrive $0xFFFF  }
0xaf: {  	_ =	shalt  }

// kernel: kernel.8.cloned.1.call-start
scs
__scs_entry_jumppad:
0x0: {  	(pc) =	sbr.rel $0x88, $3  }
0x1: {  	(tag) =	ssettag $0x0;
	lr =	simm.s32 $0x1  }
0x2: {  	[smem:$0x3F99] =	sst lr;
	_ =	strace $0xD0000000  }
0x3: {  	_ = 	snop  }
0x4: {  	_ = 	snop  }
0x5: {  	_ = 	snop  }
0x6: {  	_ = 	snop  }
0x7: {  	_ = 	snop  }
__scs_overlays_trampoline_lowered:
0x8: {  	[smem:$0x3FA8] =	sst s0  }
0x9: {  	[smem:$0x3FA9] =	sst s1  }
0xa: {  	[smem:$0x3FAA] =	sst s2  }
0xb: {  	[smem:$0x3FAB] =	sst s3  }
0xc: {  	[smem:$0x3FAC] =	sst s4  }
0xd: {  	[smem:$0x3FAD] =	sst s5  }
0xe: {  	[smem:$0x3FAE] =	sst s6  }
0xf: {  	[smem:$0x3FAF] =	sst s7  }
0x10: {  	[smem:$0x3FB0] =	sst s8  }
0x11: {  	[smem:$0x3FB1] =	sst s9;
	s0 =	simm.s32 @!p0 $0x0  }
0x12: {  	s1 =	sld [smem:$0x3F97];
	s0 =	simm.s32 @p0 $0x1  }
0x13: {  	[smem:$0x3FB2] =	sst s0;
	s0 =	simm.s32 @!p1 $0x0  }
0x14: {  	s2 =	sld [smem:$0x3F96];
	s0 =	simm.s32 @p1 $0x1  }
0x15: {  	[smem:$0x3FB3] =	sst s0;
	s0 =	simm.s32 @!p2 $0x0  }
0x16: {  	s3 =	sld [smem:$0x3FDB];
	s0 =	simm.s32 @p2 $0x1  }
0x17: {  	s4 =	simm.s32 $0x1BF5;
	[smem:$0x3FB5] =	sst s0  }
0x18: {  	s0 =	sld [smem:$0x3F98];
	_ =	swait.ge [sflag:s4], $0x0  }
0x19: {  	s7 =	sld [smem:$0x3F99]  }
0x1a: {  	s8 =	sadd.s32 $0xFFFFE003, lr  }
0x1b: {  	s9 =	sadd.s32 $0xFFFFFEF7, lr;
	s5 =	simm.s32 $0xFFFFFFFF;
	p2 =	slt.u32 s8, $0xFFFFF086  }
0x1c: {  	p1 =	slt.u32 s9, $0xF7A;
	s5 =	simm.s32 @!p2 $0x0  }
0x1d: {  	s5 =	simm.s32 @p1 $0x1;
	p0 =	seq.s32 s7, s2  }
0x1e: {  	s7 =	smul.u32 @!p0 $0xF7A, s2;
	p2 =	seq.s32 @!p0 s5, $0x0  }
0x1f: {  	s9 =	smul.u32 $0xF7A, s1;
	s8 =	simm.s32 @!p0 $0x1BF5;
	p2 =	por !p2, p0  }
0x20: {  	[sflag:s8] =	ssyncset.s32 @!p0 $0xFFFFF086;
	s6 =	sadd.s32 @!p0 s3, s7;
	s7 =	simm.s32 @!p0 $0x108  }
0x21: {  	s3 =	sadd.s32 s3, s9;
	s6 =	sadd.s32 @!p0 $0x88, s6;
	s7 =	simm.s32 @p2 $0x1082  }
0x22: {  	[simem:s7], [sflag:s8] =	dma.local @!p0 [hbm:s6], $0xF7A  }
0x23: {  	s9 =	sor.u32 $0xD0000000, s2;
	s6 =	simm.s32 $0x108;
	_ =	swait.ge @!p0 [sflag:s8], $0x0  }
0x24: {  	s3 =	sadd.s32 $0x88, s3;
	s6 =	simm.s32 @!p1 $0x1082;
	[sflag:s4] =	ssyncset.s32 $0xFFFFF086  }
0x25: {  	[simem:s6], [sflag:s4] =	dma.local [hbm:s3], $0xF7A  }
0x26: {  	[smem:$0x3F99] =	sst s1;
	(tag) =	ssettag s2;
	_ =	strace s9  }
0x27: {  	s1 =	sld [smem:$0x3FA9]  }
0x28: {  	s2 =	sld [smem:$0x3FAA]  }
0x29: {  	s4 =	sld [smem:$0x3FAC]  }
0x2a: {  	p0 =	seq.s32 s5, $0x0;
	s5 =	sld [smem:$0x3FAD]  }
0x2b: {  	s6 =	sld [smem:$0x3FAE]  }
0x2c: {  	s7 =	sld [smem:$0x3FAF]  }
0x2d: {  	s3 =	simm.s32 $0x108;
	s8 =	sld [smem:$0x3FB0]  }
0x2e: {  	s3 =	simm.s32 @!p0 $0x1082;
	s9 =	sld [smem:$0x3FB1]  }
0x2f: {  	lr =	sadd.s32 s0, s3;
	s0 =	sld [smem:$0x3FA8]  }
0x30: {  	s3 =	sld [smem:$0x3FAB]  }
0x31: {  	[smem:$0x3FB4] =	sst s10  }
0x32: {  	s10 =	sld [smem:$0x3FB2];
	_ =	sdelay $0x3  }
0x33: {  	p0 =	seq.s32 s10, $0x1;
	s10 =	sld [smem:$0x3FB4];
	_ =	sdelay $0x3  }
0x34: {  	[smem:$0x3FB4] =	sst s10  }
0x35: {  	s10 =	sld [smem:$0x3FB3];
	_ =	sdelay $0x3  }
0x36: {  	p1 =	seq.s32 s10, $0x1;
	s10 =	sld [smem:$0x3FB4];
	_ =	sdelay $0x3  }
0x37: {  	[smem:$0x3FB4] =	sst s10  }
0x38: {  	s10 =	sld [smem:$0x3FB5]  }
0x39: {  	_ = 	snop;
	(pc) =	sbr.ind lr, $3  }
0x3a: {  	_ = 	snop  }
0x3b: {  	_ = 	snop  }
0x3c: {  	p2 =	seq.s32 s10, $0x1;
	s10 =	sld [smem:$0x3FB4]  }
0x3d: {  	_ =	shalt  }
0x3e: {  	_ =	shalt  }
0x3f: {  	_ =	shalt  }
0x40: {  	_ =	shalt  }
0x41: {  	_ =	shalt  }
0x42: {  	_ =	shalt  }
0x43: {  	_ =	shalt  }
0x44: {  	_ =	shalt  }
0x45: {  	_ =	shalt  }
0x46: {  	_ =	shalt  }
0x47: {  	_ =	shalt  }
0x48: {  	_ =	shalt  }
0x49: {  	_ =	shalt  }
0x4a: {  	_ =	shalt  }
0x4b: {  	_ =	shalt  }
0x4c: {  	_ =	shalt  }
0x4d: {  	_ =	shalt  }
0x4e: {  	_ =	shalt  }
0x4f: {  	_ =	shalt  }
0x50: {  	_ =	shalt  }
0x51: {  	_ =	shalt  }
0x52: {  	_ =	shalt  }
0x53: {  	_ =	shalt  }
0x54: {  	_ =	shalt  }
0x55: {  	_ =	shalt  }
0x56: {  	_ =	shalt  }
0x57: {  	_ =	shalt  }
0x58: {  	_ =	shalt  }
0x59: {  	_ =	shalt  }
0x5a: {  	_ =	shalt  }
0x5b: {  	_ =	shalt  }
0x5c: {  	_ =	shalt  }
0x5d: {  	_ =	shalt  }
0x5e: {  	_ =	shalt  }
0x5f: {  	_ =	shalt  }
0x60: {  	_ =	shalt  }
0x61: {  	_ =	shalt  }
0x62: {  	_ =	shalt  }
0x63: {  	_ =	shalt  }
0x64: {  	_ =	shalt  }
0x65: {  	_ =	shalt  }
0x66: {  	_ =	shalt  }
0x67: {  	_ =	shalt  }
0x68: {  	_ =	shalt  }
0x69: {  	_ =	shalt  }
0x6a: {  	_ =	shalt  }
0x6b: {  	_ =	shalt  }
0x6c: {  	_ =	shalt  }
0x6d: {  	_ =	shalt  }
0x6e: {  	_ =	shalt  }
0x6f: {  	_ =	shalt  }
0x70: {  	_ =	shalt  }
0x71: {  	_ =	shalt  }
0x72: {  	_ =	shalt  }
0x73: {  	_ =	shalt  }
0x74: {  	_ =	shalt  }
0x75: {  	_ =	shalt  }
0x76: {  	_ =	shalt  }
0x77: {  	_ =	shalt  }
0x78: {  	_ =	shalt  }
0x79: {  	_ =	shalt  }
0x7a: {  	_ =	shalt  }
0x7b: {  	_ =	shalt  }
0x7c: {  	_ =	shalt  }
0x7d: {  	_ =	shalt  }
0x7e: {  	_ =	shalt  }
0x7f: {  	_ =	shalt  }
0x80: {  	_ =	shalt  }
0x81: {  	_ =	shalt  }
0x82: {  	_ =	shalt  }
0x83: {  	_ =	shalt  }
0x84: {  	_ =	shalt  }
0x85: {  	_ =	shalt  }
0x86: {  	_ =	shalt  }
0x87: {  	_ =	shalt  }
.Lfunc_end0:
.L_simem_size_0:
called_computation_lowered:
.L_overlay_start_0:
0x88: {  	s2 =	sld [smem:$0x3FD9]  }
0x89: {  	s3 =	sld [smem:$0x3FFE];
	_ =	sdelay $0x1  }
0x8a: {  	s1 =	srdreg.scid  }
0x8b: {  	s0 =	sand.u32 $0x1, s1  }
0x8c: {  	s17 =	sshll.u32 s0, $0xA;
	s2 =	sadd.s32 s3, s2  }
0x8d: {  	s2 =	sadd.s32 s2, s17  }
0x8e: {  	[smem:$0x3FC0] =	sst s2  }
0x8f: {  	_ = 	snop  }
0x90: {  	s2 =	sld [smem:$0x3FD0];
	(tm) =	ssettm $0x1  }
0x91: {  	s18 =	sld [smem:$0x3FFB];
	_ =	sdelay $0x3  }
0x92: {  	_ =	strace s18  }
0x93: {  	s3 =	sld [smem:$0x3FFC];
	_ =	sdelay $0x3  }
0x94: {  	_ =	strace s3  }
0x95: {  	s3 =	sld [smem:$0x3FFD];
	_ =	sdelay $0x3  }
0x96: {  	_ =	strace s3  }
0x97: {  	_ =	strace $0x8FFFFFFF  }
0x98: {  	s19 =	sld [smem:$0x3FDB];
	_ =	sdelay $0x1  }
0x99: {  	s4 =	simm.s32 $_scs_section_size  }
0x9a: {  	s5 =	simm.s32 $_size__tile_overlayer_lowered;
	s6 =	simm.s32 $_tile_overlayer_lowered  }
0x9b: {  	s22 =	simm.s32 $0x1BFF;
	s21 =	sshll.u32 s6, $0x1;
	s3 =	sadd.s32 s4, s19  }
0x9c: {  	s7 =	simm.s32 $0x0;
	s20 =	sshll.u32 s5, $0x1;
	s5 =	sadd.s32 s21, s3  }
0x9d: {  	[timem:s7], [sflag:s22] =	dma.local [hbm:s5], s20  }
0x9e: {  	_ =	swait.ge [sflag:s22], s20  }
0x9f: {  	s4 =	ssub.s32 $0x0, s20;
	[sflag:s22] =	ssyncset.done $0x0  }
0xa0: {  	[sflag:s22] =	ssyncadd.s32 s4;
	_ =	sdelay $0x1  }
0xa1: {  	s23 =	simm.s32 $0x1B8B  }
0xa2: {  	_ =	swait.ge [sflag:s23], $0x1  }
0xa3: {  	[sflag:s23] =	ssyncset.done $0x0  }
0xa4: {  	s25 =	simm.s32 $0x1B8E;
	s24 =	sld [smem:$0x3FFE];
	[sflag:s23] =	ssyncadd.s32 $0xFFFFFFFF  }
0xa5: {  	s26 =	simm.s32 $execute0_lowered;
	[smem:$0x3FD2] =	sst s25  }
0xa6: {  	s5 =	sshll.u32 s26, $0x1;
	_ =	strace $0x80000046;
	[dreg:$0x1] =	wrdreg $0xFFFFFFFF  }
0xa7: {  	s28 =	simm.s32 $_size_execute0_lowered;
	s3 =	sadd.s32 s3, s5;
	[dreg:$0x0] =	wrdreg $0x0  }
0xa8: {  	s5 =	sshll.u32 s28, $0x1;
	[dreg:$0x2] =	wrdreg s3  }
0xa9: {  	[dreg:$0x3] =	wrdreg s5  }
0xaa: {  	[dreg:$0x4] =	wrdreg $0xC0  }
0xab: {  	_ =	task [dreg:s7], $0x5FFFF  }
0xac: {  	[dreg:$0x1] =	wrdreg $0xFFFFFFFF  }
0xad: {  	[dreg:$0x0] =	wrdreg $0x60  }
0xae: {  	[dreg:$0x2] =	wrdreg s2  }
0xaf: {  	[dreg:$0x3] =	wrdreg s24  }
0xb0: {  	[dreg:$0x4] =	wrdreg $0x9  }
0xb1: {  	_ =	task.clear_ibuf [dreg:s7], $0x5FFFF;
	_ =	strace $0x90000046  }
0xb2: {  	s29 =	simm.s32 $0x9;
	_ =	strace $0x80000048  }
0xb3: {  	_ =	swait.ge [sflag:s29], $0x1  }
0xb4: {  	[sflag:s29] =	ssyncadd.s32 $0xFFFFFFFF  }
0xb5: {  	_ =	strace $0x90000048  }
0xb6: {  	_ =	sfence  }
0xb7: {  	s30 =	sld [smem:$0x0];
	_ =	sdelay $0x2  }
0xb8: {  	s31 =	sshll.u32 s1, $0xD;
	s1 =	sshrl.u32 s1, $0x2  }
0xb9: {  	s3 =	sand.u32 $0x4000, s31;
	s1 =	sadd.s32 s1, s30  }
0xba: {  	s0 =	sor.u32 s3, s0;
	s1 =	sshll.u32 s1, $0x11  }
0xbb: {  	s0 =	sor.u32 s1, s0  }
0xbc: {  	s0 =	sadd.s32 $0x8F2B, s0  }
0xbd: {  	[sflag:s0] =	ssyncadd.remote.s32 $0x1  }
0xbe: {  	_ =	sfence.sel $0xFFFF  }
0xbf: {  	[dreg:$0x0] =	wrdreg $0xFFFFFFFF;
	(pc) =	sbr.abs _section_cstart, $3  }
0xc0: {  	[dreg:$0x1] =	wrdreg $0xFFFFFFFF  }
0xc1: {  	_ =	task.clear_ibuf [dreg:s7], $0x2FFFF;
	_ =	strace $0x9FFFFFFF  }
0xc2: {  	(tm) =	ssettm $0x7FFFFFFF  }
0xc3: {  	_ =	shalt  }
tec
execute0_lowered:
.L_overlay_start_1:
0x0: {  	(tag) =	ssettag $0x1  }
0x1: {  	s9 =	rddreg [dreg:$0x0]  }
0x2: {  	s4 =	rddreg [dreg:$0x1]  }
0x3: {  	s0 =	rddreg [dreg:$0x2]  }
0x4: {  	s2 =	simm.s32 $0x0;
	s3 =	srdreg.scid;
	s1 =	stileid.u32  }
0x5: {  	s13 =	simm.s32 $0x1080;
	s14 =	simm.s32 $0x1880;
	s15 =	simm.s32 $0x2080  }
0x6: {  	s16 =	simm.s32 $0x2880;
	s17 =	simm.s32 $0x3080;
	s18 =	simm.s32 $0x3880  }
0x7: {  	s19 =	simm.s32 $0x4080;
	s20 =	simm.s32 $0x4880;
	s21 =	simm.s32 $0x5080  }
0x8: {  	s22 =	simm.s32 $0x5880;
	s23 =	simm.s32 $0x6080;
	s24 =	simm.s32 $0x6880  }
0x9: {  	s25 =	simm.s32 $0x7080;
	s26 =	simm.s32 $0x7880;
	s28 =	simm.s32 $0x1  }
0xa: {  	[smem:$0x7FF] =	sst s2;
	s3 =	sand.u32 $0x1, s3;
	s6 =	sshll.u32 s1, $0x8  }
0xb: {  	s8 =	sadd.s32 $0x1800, s4;
	s5 =	ssub.s32 $0x2, s3;
	s3 =	sshll.u32 s3, $0x7  }
0xc: {  	_ =	strace $0x80000047;
	s7 =	sshrl.u32 s5, $0x1;
	s10 =	sor.u32 s3, s6  }
0xd: {  	s3 =	sadd.s32 $0x1A00, s4;
	s4 =	sadd.s32 $0x1B00, s4;
	s29 =	ssub.s32 s5, s7  }
0xe: {  	s30 =	sshrl.u32 s10, $0x3;
	s31 =	sor.u32 $0x40, s10;
	s10 =	sshll.u32 s10, $0x6  }
0xf: {  	s5 =	sadd.s32 s8, s30;
	s6 =	smax.u32 s29, $0x1;
	s11 =	sshll.u32 s31, $0x6  }
0x10: {  	v2 =	vlaneseq.u32;
	s10 =	sand.u32 $0x1E000, s10;
	s12 =	sshrl.u32 s31, $0x3;
	s11 =	sand.u32 $0x1F000, s11  }
0x11: {  	vm0 =	vmmov $0xffff;
	v1 =	vshrl.u32 v2, $0x3;
	s7 =	sadd.s32 s9, s10;
	s8 =	sadd.s32 s8, s12;
	s10 =	simm.s32 $0x2  }
0x12: {  	v0 =	vand.u32 $0x7, v2;
	v2 =	vor.u32 $0x8, v2;
	v1 =	vmul.u32 $0x8, v1;
	s12 =	simm.s32 $0x880;
	s9 =	sadd.s32 s9, s11;
	s11 =	simm.s32 $0x80  }
.LBB2_1:
0x13: {  	[tilespmem:s2], [sflag:$0x2] =	stream.linear.gather [hbm4b:s5+s2], $0x40, $0x38;
	[tilespmem:$0x8080] =	vst v63  }
0x14: {  	_ =	swait.ge [sflag:s10], $0x40  }
0x15: {  	[sflag:s10] =	ssyncset.done $0x0  }
0x16: {  	[sflag:s10] =	ssyncadd.s32 $0xFFFFFFC0  }
0x17: {  	[tilespmem:s11], [sflag:$0x2] =	stream.linear.gather [hbm4b:s7+s2], $0x8000, $0x38;
	[tilespmem:$0x8080] =	vst v63  }
0x18: {  	_ =	swait.ge [sflag:s10], $0x8000  }
0x19: {  	[sflag:s10] =	ssyncset.done $0x0  }
0x1a: {  	[sflag:s10] =	ssyncadd.s32 $0xFFFF8000  }
0x1b: {  	v3 =	vld [tilespmem:$0x0];
	_ =	sdelay $0x4  }
0x1c: {  	v4 =	vshll.u32 v3, $0x2  }
0x1d: {  	v3 =	vand.u32 $0x7, v3;
	v4 =	vand.u32 $0xFFFFFFE0, v4  }
0x1e: {  	v3 =	vor.u32 v3, v4  }
0x1f: {  	v4 =	vperm.xlane v3, v0;
	_ =	sdelay $0x1  }
0x20: {  	v4 =	vadd.s32 v1, v4;
	_ =	sdelay $0x1  }
0x21: {  	v3 =	vperm.xlane v3, v2;
	_ =	sdelay $0x1  }
0x22: {  	v3 =	vadd.s32 v1, v3  }
0x23: {  	[hbm4b:s3+s2] =	stream.indirect_vreg.scatter [tilespmem:s11], [sflag:$0x1], $0x80, v4, vm0, $0xb8;
	[tilespmem:$0x8080] =	vst v63  }
0x24: {  	_ = 	snop  }
0x25: {  	[hbm4b:s4+s2] =	stream.indirect_vreg.scatter [tilespmem:s12], [sflag:$0x1], $0x80, v4, vm0, $0xb8;
	[tilespmem:$0x8080] =	vst v63  }
0x26: {  	_ = 	snop  }
0x27: {  	[hbm4b:s3+s2] =	stream.indirect_vreg.scatter [tilespmem:s13], [sflag:$0x1], $0x80, v3, vm0, $0xb8;
	[tilespmem:$0x8080] =	vst v63  }
0x28: {  	_ = 	snop  }
0x29: {  	[hbm4b:s4+s2] =	stream.indirect_vreg.scatter [tilespmem:s14], [sflag:$0x1], $0x80, v3, vm0, $0xb8;
	[tilespmem:$0x8080] =	vst v63  }
0x2a: {  	v3 =	vld [tilespmem:$0x10];
	_ =	sdelay $0x4  }
0x2b: {  	v57 =	vshll.u32 v3, $0x2  }
0x2c: {  	v3 =	vand.u32 $0x7, v3;
	v4 =	vand.u32 $0xFFFFFFE0, v57  }
0x2d: {  	v3 =	vor.u32 v3, v4  }
0x2e: {  	v4 =	vperm.xlane v3, v0;
	_ =	sdelay $0x1  }
0x2f: {  	v4 =	vadd.s32 v1, v4;
	_ =	sdelay $0x1  }
0x30: {  	v3 =	vperm.xlane v3, v2;
	_ =	sdelay $0x1  }
0x31: {  	v3 =	vadd.s32 v1, v3  }
0x32: {  	[hbm4b:s3+s2] =	stream.indirect_vreg.scatter [tilespmem:s15], [sflag:$0x1], $0x80, v4, vm0, $0xb8;
	[tilespmem:$0x8080] =	vst v63  }
0x33: {  	_ = 	snop  }
0x34: {  	[hbm4b:s4+s2] =	stream.indirect_vreg.scatter [tilespmem:s16], [sflag:$0x1], $0x80, v4, vm0, $0xb8;
	[tilespmem:$0x8080] =	vst v63  }
0x35: {  	_ = 	snop  }
0x36: {  	[hbm4b:s3+s2] =	stream.indirect_vreg.scatter [tilespmem:s17], [sflag:$0x1], $0x80, v3, vm0, $0xb8;
	[tilespmem:$0x8080] =	vst v63  }
0x37: {  	_ = 	snop  }
0x38: {  	[hbm4b:s4+s2] =	stream.indirect_vreg.scatter [tilespmem:s18], [sflag:$0x1], $0x80, v3, vm0, $0xb8;
	[tilespmem:$0x8080] =	vst v63  }
0x39: {  	v3 =	vld [tilespmem:$0x20];
	_ =	sdelay $0x4  }
0x3a: {  	v58 =	vshll.u32 v3, $0x2  }
0x3b: {  	v3 =	vand.u32 $0x7, v3;
	v4 =	vand.u32 $0xFFFFFFE0, v58  }
0x3c: {  	v3 =	vor.u32 v3, v4  }
0x3d: {  	v4 =	vperm.xlane v3, v0;
	_ =	sdelay $0x1  }
0x3e: {  	v4 =	vadd.s32 v1, v4;
	_ =	sdelay $0x1  }
0x3f: {  	v3 =	vperm.xlane v3, v2;
	_ =	sdelay $0x1  }
0x40: {  	v3 =	vadd.s32 v1, v3  }
0x41: {  	[hbm4b:s3+s2] =	stream.indirect_vreg.scatter [tilespmem:s19], [sflag:$0x1], $0x80, v4, vm0, $0xb8;
	[tilespmem:$0x8080] =	vst v63  }
0x42: {  	_ = 	snop  }
0x43: {  	[hbm4b:s4+s2] =	stream.indirect_vreg.scatter [tilespmem:s20], [sflag:$0x1], $0x80, v4, vm0, $0xb8;
	[tilespmem:$0x8080] =	vst v63  }
0x44: {  	_ = 	snop  }
0x45: {  	[hbm4b:s3+s2] =	stream.indirect_vreg.scatter [tilespmem:s21], [sflag:$0x1], $0x80, v3, vm0, $0xb8;
	[tilespmem:$0x8080] =	vst v63  }
0x46: {  	_ = 	snop  }
0x47: {  	[hbm4b:s4+s2] =	stream.indirect_vreg.scatter [tilespmem:s22], [sflag:$0x1], $0x80, v3, vm0, $0xb8;
	[tilespmem:$0x8080] =	vst v63  }
0x48: {  	v3 =	vld [tilespmem:$0x30];
	_ =	sdelay $0x4  }
0x49: {  	v59 =	vshll.u32 v3, $0x2  }
0x4a: {  	v3 =	vand.u32 $0x7, v3;
	v4 =	vand.u32 $0xFFFFFFE0, v59  }
0x4b: {  	v3 =	vor.u32 v3, v4  }
0x4c: {  	v4 =	vperm.xlane v3, v0;
	_ =	sdelay $0x1  }
0x4d: {  	v4 =	vadd.s32 v1, v4;
	_ =	sdelay $0x1  }
0x4e: {  	v3 =	vperm.xlane v3, v2;
	_ =	sdelay $0x1  }
0x4f: {  	v3 =	vadd.s32 v1, v3  }
0x50: {  	[hbm4b:s3+s2] =	stream.indirect_vreg.scatter [tilespmem:s23], [sflag:$0x1], $0x80, v4, vm0, $0xb8;
	[tilespmem:$0x8080] =	vst v63  }
0x51: {  	_ = 	snop  }
0x52: {  	[hbm4b:s4+s2] =	stream.indirect_vreg.scatter [tilespmem:s24], [sflag:$0x1], $0x80, v4, vm0, $0xb8;
	[tilespmem:$0x8080] =	vst v63  }
0x53: {  	_ = 	snop  }
0x54: {  	[hbm4b:s3+s2] =	stream.indirect_vreg.scatter [tilespmem:s25], [sflag:$0x1], $0x80, v3, vm0, $0xb8;
	[tilespmem:$0x8080] =	vst v63  }
0x55: {  	_ = 	snop  }
0x56: {  	[hbm4b:s4+s2] =	stream.indirect_vreg.scatter [tilespmem:s26], [sflag:$0x1], $0x80, v3, vm0, $0xb8;
	[tilespmem:$0x8080] =	vst v63  }
0x57: {  	_ =	swait.ge [sflag:s28], $0x8000  }
0x58: {  	[sflag:s28] =	ssyncset.done $0x0  }
0x59: {  	[sflag:s28] =	ssyncadd.s32 $0xFFFF8000  }
0x5a: {  	[tilespmem:s2], [sflag:$0x2] =	stream.linear.gather [hbm4b:s8+s2], $0x40, $0x38;
	[tilespmem:$0x8080] =	vst v63  }
0x5b: {  	_ =	swait.ge [sflag:s10], $0x40  }
0x5c: {  	[sflag:s10] =	ssyncset.done $0x0  }
0x5d: {  	[sflag:s10] =	ssyncadd.s32 $0xFFFFFFC0  }
0x5e: {  	[tilespmem:s11], [sflag:$0x2] =	stream.linear.gather [hbm4b:s9+s2], $0x8000, $0x38;
	[tilespmem:$0x8080] =	vst v63  }
0x5f: {  	_ =	swait.ge [sflag:s10], $0x8000  }
0x60: {  	[sflag:s10] =	ssyncset.done $0x0  }
0x61: {  	[sflag:s10] =	ssyncadd.s32 $0xFFFF8000  }
0x62: {  	v3 =	vld [tilespmem:$0x0];
	_ =	sdelay $0x4  }
0x63: {  	v60 =	vshll.u32 v3, $0x2  }
0x64: {  	v3 =	vand.u32 $0x7, v3;
	v4 =	vand.u32 $0xFFFFFFE0, v60  }
0x65: {  	v3 =	vor.u32 v3, v4  }
0x66: {  	v4 =	vperm.xlane v3, v0;
	_ =	sdelay $0x1  }
0x67: {  	v4 =	vadd.s32 v1, v4;
	_ =	sdelay $0x1  }
0x68: {  	v3 =	vperm.xlane v3, v2;
	_ =	sdelay $0x1  }
0x69: {  	v3 =	vadd.s32 v1, v3  }
0x6a: {  	[hbm4b:s3+s2] =	stream.indirect_vreg.scatter [tilespmem:s11], [sflag:$0x1], $0x80, v4, vm0, $0xb8;
	[tilespmem:$0x8080] =	vst v63  }
0x6b: {  	_ = 	snop  }
0x6c: {  	[hbm4b:s4+s2] =	stream.indirect_vreg.scatter [tilespmem:s12], [sflag:$0x1], $0x80, v4, vm0, $0xb8;
	[tilespmem:$0x8080] =	vst v63  }
0x6d: {  	_ = 	snop  }
0x6e: {  	[hbm4b:s3+s2] =	stream.indirect_vreg.scatter [tilespmem:s13], [sflag:$0x1], $0x80, v3, vm0, $0xb8;
	[tilespmem:$0x8080] =	vst v63  }
0x6f: {  	_ = 	snop  }
0x70: {  	[hbm4b:s4+s2] =	stream.indirect_vreg.scatter [tilespmem:s14], [sflag:$0x1], $0x80, v3, vm0, $0xb8;
	[tilespmem:$0x8080] =	vst v63  }
0x71: {  	v3 =	vld [tilespmem:$0x10];
	_ =	sdelay $0x4  }
0x72: {  	v61 =	vshll.u32 v3, $0x2  }
0x73: {  	v3 =	vand.u32 $0x7, v3;
	v4 =	vand.u32 $0xFFFFFFE0, v61  }
0x74: {  	v3 =	vor.u32 v3, v4  }
0x75: {  	v4 =	vperm.xlane v3, v0;
	_ =	sdelay $0x1  }
0x76: {  	v4 =	vadd.s32 v1, v4;
	_ =	sdelay $0x1  }
0x77: {  	v3 =	vperm.xlane v3, v2;
	_ =	sdelay $0x1  }
0x78: {  	v3 =	vadd.s32 v1, v3  }
0x79: {  	[hbm4b:s3+s2] =	stream.indirect_vreg.scatter [tilespmem:s15], [sflag:$0x1], $0x80, v4, vm0, $0xb8;
	[tilespmem:$0x8080] =	vst v63  }
0x7a: {  	_ = 	snop  }
0x7b: {  	[hbm4b:s4+s2] =	stream.indirect_vreg.scatter [tilespmem:s16], [sflag:$0x1], $0x80, v4, vm0, $0xb8;
	[tilespmem:$0x8080] =	vst v63  }
0x7c: {  	_ = 	snop  }
0x7d: {  	[hbm4b:s3+s2] =	stream.indirect_vreg.scatter [tilespmem:s17], [sflag:$0x1], $0x80, v3, vm0, $0xb8;
	[tilespmem:$0x8080] =	vst v63  }
0x7e: {  	_ = 	snop  }
0x7f: {  	[hbm4b:s4+s2] =	stream.indirect_vreg.scatter [tilespmem:s18], [sflag:$0x1], $0x80, v3, vm0, $0xb8;
	[tilespmem:$0x8080] =	vst v63  }
0x80: {  	v3 =	vld [tilespmem:$0x20];
	_ =	sdelay $0x4  }
0x81: {  	v62 =	vshll.u32 v3, $0x2  }
0x82: {  	v3 =	vand.u32 $0x7, v3;
	v4 =	vand.u32 $0xFFFFFFE0, v62  }
0x83: {  	v3 =	vor.u32 v3, v4  }
0x84: {  	v4 =	vperm.xlane v3, v0;
	_ =	sdelay $0x1  }
0x85: {  	v4 =	vadd.s32 v1, v4;
	_ =	sdelay $0x1  }
0x86: {  	v3 =	vperm.xlane v3, v2;
	_ =	sdelay $0x1  }
0x87: {  	v3 =	vadd.s32 v1, v3  }
0x88: {  	[hbm4b:s3+s2] =	stream.indirect_vreg.scatter [tilespmem:s19], [sflag:$0x1], $0x80, v4, vm0, $0xb8;
	[tilespmem:$0x8080] =	vst v63  }
0x89: {  	_ = 	snop  }
0x8a: {  	[hbm4b:s4+s2] =	stream.indirect_vreg.scatter [tilespmem:s20], [sflag:$0x1], $0x80, v4, vm0, $0xb8;
	[tilespmem:$0x8080] =	vst v63  }
0x8b: {  	_ = 	snop  }
0x8c: {  	[hbm4b:s3+s2] =	stream.indirect_vreg.scatter [tilespmem:s21], [sflag:$0x1], $0x80, v3, vm0, $0xb8;
	[tilespmem:$0x8080] =	vst v63  }
0x8d: {  	_ = 	snop  }
0x8e: {  	[hbm4b:s4+s2] =	stream.indirect_vreg.scatter [tilespmem:s22], [sflag:$0x1], $0x80, v3, vm0, $0xb8;
	[tilespmem:$0x8080] =	vst v63  }
0x8f: {  	v3 =	vld [tilespmem:$0x30];
	_ =	sdelay $0x4  }
0x90: {  	v63 =	vshll.u32 v3, $0x2  }
0x91: {  	v3 =	vand.u32 $0x7, v3;
	v4 =	vand.u32 $0xFFFFFFE0, v63  }
0x92: {  	v3 =	vor.u32 v3, v4  }
0x93: {  	v4 =	vperm.xlane v3, v0;
	_ =	sdelay $0x1  }
0x94: {  	v4 =	vadd.s32 v1, v4;
	_ =	sdelay $0x1  }
0x95: {  	v3 =	vperm.xlane v3, v2;
	_ =	sdelay $0x1  }
0x96: {  	v3 =	vadd.s32 v1, v3  }
0x97: {  	[hbm4b:s3+s2] =	stream.indirect_vreg.scatter [tilespmem:s23], [sflag:$0x1], $0x80, v4, vm0, $0xb8;
	[tilespmem:$0x8080] =	vst v63  }
0x98: {  	_ = 	snop  }
0x99: {  	[hbm4b:s4+s2] =	stream.indirect_vreg.scatter [tilespmem:s24], [sflag:$0x1], $0x80, v4, vm0, $0xb8;
	[tilespmem:$0x8080] =	vst v63  }
0x9a: {  	p0 =	sne.s32 s6, $0x1  }
0x9b: {  	[hbm4b:s3+s2] =	stream.indirect_vreg.scatter [tilespmem:s25], [sflag:$0x1], $0x80, v3, vm0, $0xb8;
	[tilespmem:$0x8080] =	vst v63  }
.Ltmp0:
0x9c: {  	_ = 	snop;
	(pc) =	sbr.rel @p0 .LBB2_1-.Ltmp0, $4  }
0x9d: {  	[hbm4b:s4+s2] =	stream.indirect_vreg.scatter [tilespmem:s26], [sflag:$0x1], $0x80, v3, vm0, $0xb8;
	[tilespmem:$0x8080] =	vst v63  }
0x9e: {  	_ =	swait.ge [sflag:s28], $0x8000  }
0x9f: {  	[sflag:s28] =	ssyncset.done $0x0  }
0xa0: {  	s6 =	sadd.s32 $0xFFFFFFFF, s6;
	[sflag:s28] =	ssyncadd.s32 $0xFFFF8000  }
0xa1: {  	_ =	sfence.sel $0x180000  }
0xa2: {  	[bflag:$0x0] =	sbarrier.arrive $0xFFFF  }
0xa3: {  	p0 =	sne.s32 s1, $0x0;
	_ =	strace $0x90000047  }
0xa4: {  	s0 =	sadd.s32 @!p0 $0x100000, s0;
	[bflag:$0x2] =	sbarrier.arrive $0xFFFF  }
0xa5: {  	[sflag:s0] =	ssyncadd.tile.s32 @!p0 $0x1;
	_ =	shalt  }
.Lfunc_end2:
_tile_overlayer_lowered:
.L_overlay_start_2:
0xa6: {  	(tag) =	ssettag $0x2  }
0xa7: {  	s0 =	rddreg [dreg:$0x0];
	s2 =	stileid.u32  }
0xa8: {  	s1 =	rddreg [dreg:$0x1];
	p0 =	sne.s32 s2, $0x0  }
0xa9: {  	s3 =	rddreg [dreg:$0x2];
	[bflag:$0x3] =	sbarrier.arrive $0xFFFF;
	s2 =	simm.s32 @!p0 $0x1C02  }
0xaa: {  	[timem:s3], [sflag:s2] =	dma.local @!p0 [hbm:s0], s1  }
0xab: {  	s0 =	simm.s32 @!p0 $0x2  }
0xac: {  	_ =	swait.ge @!p0 [sflag:s0], s1  }
0xad: {  	s1 =	ssub.s32 @!p0 $0x0, s1;
	[sflag:s0] =	ssyncset.done @!p0 $0x0  }
0xae: {  	[sflag:s0] =	ssyncadd.s32 @!p0 s1  }
0xaf: {  	[bflag:$0x3] =	sbarrier.arrive $0xFFFF  }
0xb0: {  	_ =	shalt  }

</sc_bundles>
